<compile_context>
chip_gen: v7x
topology: tpu7x:2x2x1
jax: 0.10.2.dev20260603
libtpu: 0.0.44.dev20260713+nightly
codegen_flags: <defaults>
</compile_context>

<pallas_src>
import functools

import jax
import jax.numpy as jnp
from jax import lax
from jax.experimental import pallas as pl
from jax.experimental.pallas import tpu as pltpu
from jax.experimental.pallas import tpu_sc as plsc

N_NODES = 10000
N_EDGES = 320000
D_FEAT = 128

NC = 2
NS = 16
NW = NC * NS
BLK = 128
EPW_REAL = N_EDGES // NW
NBLK = 80
CH = 16
EPW = NBLK * BLK
PAD_N = EPW - EPW_REAL
PAD_ROWS = 16
ROWS_PER_TILE = 632
ACC_ROWS = NS * ROWS_PER_TILE


def _sc_gather_scatter(feat, idx):
    mesh = plsc.VectorSubcoreMesh(
        core_axis_name="c", subcore_axis_name="s",
        num_cores=NC, num_subcores=NS)

    @functools.partial(
        pl.kernel,
        out_type=jax.ShapeDtypeStruct((NC, ACC_ROWS, D_FEAT), jnp.float32),
        mesh=mesh,
        scratch_types=[
            pltpu.VMEM((CH, BLK), jnp.int32),
            pltpu.VMEM((CH, BLK), jnp.int32),
            pltpu.VMEM((2, BLK, D_FEAT), jnp.float32),
            pltpu.VMEM_SHARED((ACC_ROWS, D_FEAT), jnp.float32),
            pltpu.SemaphoreType.DMA,
            pltpu.SemaphoreType.DMA,
        ],
    )
    def k(feat_hbm, idx_hbm, out_hbm,
          src_v, dst_v, rows_v, accum, sem0, sem1):
        c = lax.axis_index("c")
        s = lax.axis_index("s")
        wid = s * NC + c
        row0 = s * ROWS_PER_TILE

        @pl.when(c == 0)
        def _():
            f0 = lax.min(row0, N_NODES - ROWS_PER_TILE)
            pltpu.sync_copy(feat_hbm.at[pl.ds(f0, ROWS_PER_TILE)],
                            accum.at[pl.ds(f0, ROWS_PER_TILE)])

        @pl.when(c == 1)
        def _():
            zero = jnp.zeros((16,), jnp.float32)

            def zrow(i, cr):
                rows_v[0, i // 8, pl.ds((i % 8) * 16, 16)] = zero
                return cr

            lax.fori_loop(0, BLK * D_FEAT // 16, zrow, 0)
            for t in range(ROWS_PER_TILE // BLK):
                pltpu.sync_copy(rows_v.at[0],
                                accum.at[pl.ds(row0 + t * BLK, BLK)])
            rem = ROWS_PER_TILE % BLK
            pltpu.sync_copy(
                rows_v.at[0, pl.ds(0, rem)],
                accum.at[pl.ds(row0 + ROWS_PER_TILE - rem, rem)])

        plsc.subcore_barrier()

        sems = (sem0, sem1)

        def gather_start(j, b):
            pltpu.async_copy(feat_hbm.at[src_v.at[j]], rows_v.at[b], sems[b])

        def gather_wait(j, b):
            pltpu.make_async_copy(
                feat_hbm.at[src_v.at[j]], rows_v.at[b], sems[b]).wait()

        def chunk_body(ci, carry):
            pltpu.sync_copy(idx_hbm.at[0, wid, pl.ds(ci * CH, CH)], src_v)
            pltpu.sync_copy(idx_hbm.at[1, wid, pl.ds(ci * CH, CH)], dst_v)
            gather_start(0, 0)

            def pair_body(i, carry2):
                g = i * 2
                for b in range(2):
                    j = g + b
                    gather_start((j + 1) % CH, 1 - b)
                    gather_wait(j, b)
                    pltpu.sync_copy(rows_v.at[b], accum.at[dst_v.at[j]],
                                    add=True)
                return carry2

            lax.fori_loop(0, CH // 2, pair_body, 0)
            gather_wait(0, 0)
            return carry

        lax.fori_loop(0, NBLK // CH, chunk_body, 0)

        plsc.subcore_barrier()
        pltpu.sync_copy(accum.at[pl.ds(row0, ROWS_PER_TILE)],
                        out_hbm.at[c, pl.ds(row0, ROWS_PER_TILE)])

    return k(feat, idx)


def _linear(parts, W, b2):
    BM = 1000

    def mm_body(p0_ref, p1_ref, w_ref, b_ref, o_ref):
        h = p0_ref[0] + p1_ref[0]
        o_ref[...] = jnp.dot(h, w_ref[...],
                             preferred_element_type=jnp.float32) + b_ref[...]

    return pl.pallas_call(
        mm_body,
        grid=(N_NODES // BM,),
        in_specs=[
            pl.BlockSpec((1, BM, D_FEAT), lambda i: (0, i, 0)),
            pl.BlockSpec((1, BM, D_FEAT), lambda i: (1, i, 0)),
            pl.BlockSpec((D_FEAT, D_FEAT), lambda i: (0, 0)),
            pl.BlockSpec((1, D_FEAT), lambda i: (0, 0)),
        ],
        out_specs=pl.BlockSpec((BM, D_FEAT), lambda i: (i, 0)),
        out_shape=jax.ShapeDtypeStruct((N_NODES, D_FEAT), jnp.float32),
    )(parts, parts, W, b2)


def kernel(feat, edge_index, W, b):
    lane = jnp.arange(PAD_N, dtype=jnp.int32) % PAD_ROWS
    pad = jnp.broadcast_to(
        jnp.stack([lane, N_NODES + lane])[:, None, :], (2, NW, PAD_N))
    idx = jnp.concatenate(
        [edge_index.astype(jnp.int32).reshape(2, NW, EPW_REAL), pad],
        axis=2).reshape(2, NW, NBLK, BLK)

    parts = _sc_gather_scatter(feat, idx)
    return _linear(parts, W, b.reshape(1, D_FEAT))

# --- scband reference (transcript-rebuilt; emitter-appended) ---
"""Pipeline reference for scband-ginconv-26216480375297 (READ-ONLY COPY).

The authoritative reference and input builder live on the scoring server;
editing this copy changes nothing except your own understanding.
"""

import jax, jax.numpy as jnp
import numpy as np

N_NODES = 10000
N_EDGES = 320000
D_FEAT = 128
EPS = 0.0  # init_eps=0, learn_eps=False (buffer, constant)

def setup_inputs(seed: int = 0) -> dict:
    key = jax.random.key(seed)
    k1, k2, k3, k4 = jax.random.split(key, 4)
    feat = jax.random.normal(k1, (N_NODES, D_FEAT), dtype=jnp.float32)
    edge_index = jax.random.randint(k2, (2, N_EDGES), 0, N_NODES, dtype=jnp.int64)
    # The GINConv 'nn' submodule is a Linear(d_feat, d_feat)
    W = jax.random.normal(k3, (D_FEAT, D_FEAT), dtype=jnp.float32) * (1.0 / np.sqrt(D_FEAT))
    b = jax.random.normal(k4, (D_FEAT,), dtype=jnp.float32) * 0.01
    return {"feat": feat, "edge_index": edge_index, "W": W, "b": b}

def reference(feat, edge_index, W, b):
    # GIN with sum aggregator:
    #   graph.update_all(copy_u('h','m'), sum('m','neigh'))
    #   rst = nn((1+eps)*feat + neigh)
    src = edge_index[0]
    dst = edge_index[1]
    msgs = jnp.take(feat, src, axis=0)                       # gather (copy_u)
    neigh = jax.ops.segment_sum(msgs, dst, num_segments=feat.shape[0])  # scatter-add reduce
    h = (1.0 + EPS) * feat + neigh
    rst = h @ W + b                                           # nn = Linear(d, d)
    return rst

if __name__ == "__main__":
    import jax
    _d = setup_inputs()
    print(jax.jit(kernel)(*tuple(_d.values())))

</pallas_src>

<mosaic_0001>
#map = affine_map<(d0, d1) -> (0, 0)>
#map1 = affine_map<(d0, d1) -> (0, 0, 0, 0)>
#map2 = affine_map<(d0, d1) -> (0, 0, 0)>
module attributes {stable_mosaic.version = 14 : i64} {
  func.func @k(%arg0: i32, %arg1: i32, %arg2: memref<10000x128xf32, #tpu.memory_space<hbm>>, %arg3: memref<2x32x80x128xi32, #tpu.memory_space<hbm>>, %arg4: memref<2x10112x128xf32, #tpu.memory_space<hbm>>, %arg5: memref<16x128xi32, #tpu.memory_space<vmem>>, %arg6: memref<16x128xi32, #tpu.memory_space<vmem>>, %arg7: memref<2x128x128xf32, #tpu.memory_space<vmem>>, %arg8: memref<10112x128xf32, #tpu.memory_space<vmem_shared>>, %arg9: memref<!tpu.dma_semaphore, #tpu.memory_space<semaphore_mem>>, %arg10: memref<!tpu.dma_semaphore, #tpu.memory_space<semaphore_mem>>) attributes {dimension_semantics = [#tpu.dimension_semantics<core_parallel>, #tpu.dimension_semantics<subcore_parallel>], iteration_bounds = array<i64: 2, 16>, scalar_prefetch = 0 : i64, scratch_operands = 6 : i64, tpu.core_type = #tpu.core_type<sc_vector_subcore>, window_params = [{transform_indices = #map}, {transform_indices = #map1}, {transform_indices = #map2}]} {
    %mul3A = arith.constant 2 : i32
    %mul3A_0 = arith.muli %arg1, %mul3A : i32
    %add3A = arith.addi %mul3A_0, %arg0 : i32
    %mul3A_1 = arith.constant 632 : i32
    %mul3A_2 = arith.muli %arg1, %mul3A_1 : i32
    %eq3A = arith.constant 0 : i32
    %eq3A_3 = arith.cmpi eq, %arg0, %eq3A : i32
    %convert_element_type3A = arith.extui %eq3A_3 : i1 to i32
    %cond3A = arith.constant 0 : i32
    %cond3A_4 = arith.cmpi ne, %convert_element_type3A, %cond3A : i32
    scf.if %cond3A_4 {
      %min3A = arith.constant 9368 : i32
      %min3A_16 = arith.minsi %mul3A_2, %min3A : i32
      "tpu.region"() ({
        %run_scoped3A = tpu.sem_alloc : memref<!tpu.dma_semaphore, #tpu.memory_space<semaphore_mem>>
        %dma_start3A = arith.constant 0 : i32
        %dma_start3A_17 = tpu.memref_slice %arg8[%min3A_16, %dma_start3A] : memref<10112x128xf32, #tpu.memory_space<vmem_shared>> -> memref<632x128xf32, #tpu.memory_space<vmem_shared>>
        %dma_start3A_18 = arith.constant 0 : i32
        %dma_start3A_19 = tpu.memref_slice %arg2[%min3A_16, %dma_start3A_18] : memref<10000x128xf32, #tpu.memory_space<hbm>> -> memref<632x128xf32, #tpu.memory_space<hbm>>
        tpu.enqueue_dma source(%dma_start3A_19 : memref<632x128xf32, #tpu.memory_space<hbm>>) target(%dma_start3A_17 : memref<632x128xf32, #tpu.memory_space<vmem_shared>>) target_semaphore(%run_scoped3A : memref<!tpu.dma_semaphore, #tpu.memory_space<semaphore_mem>>)
        %dma_wait3A = arith.constant 0 : i32
        %dma_wait3A_20 = tpu.memref_slice %arg8[%min3A_16, %dma_wait3A] : memref<10112x128xf32, #tpu.memory_space<vmem_shared>> -> memref<632x128xf32, #tpu.memory_space<vmem_shared>>
        %dma_wait3A_21 = arith.constant 0 : i32
        %dma_wait3A_22 = tpu.memref_slice %arg2[%min3A_16, %dma_wait3A_21] : memref<10000x128xf32, #tpu.memory_space<hbm>> -> memref<632x128xf32, #tpu.memory_space<hbm>>
        tpu.wait_dma2 semaphore(%run_scoped3A : memref<!tpu.dma_semaphore, #tpu.memory_space<semaphore_mem>>) src(%dma_wait3A_22 : memref<632x128xf32, #tpu.memory_space<hbm>>) dst(%dma_wait3A_20 : memref<632x128xf32, #tpu.memory_space<vmem_shared>>)
        tpu.yield
      }) : () -> ()
    } else {
    }
    %eq3A_5 = arith.constant 1 : i32
    %eq3A_6 = arith.cmpi eq, %arg0, %eq3A_5 : i32
    %convert_element_type3A_7 = arith.extui %eq3A_6 : i1 to i32
    %cond3A_8 = arith.constant 0 : i32
    %cond3A_9 = arith.cmpi ne, %convert_element_type3A_7, %cond3A_8 : i32
    scf.if %cond3A_9 {
      %broadcast_in_dim3A = arith.constant 0.000000e+00 : f32
      %broadcast_in_dim3A_16 = vector.broadcast %broadcast_in_dim3A : f32 to vector<16xf32>
      %scan3A_17 = arith.constant 0 : i32
      %scan3A_18 = arith.constant 0 : i32
      %scan3A_19 = arith.constant 1024 : i32
      %scan3A_20 = arith.addi %scan3A_18, %scan3A_19 : i32
      %scan3A_21 = arith.constant 1 : i32
      scf.for %scan3A_38 = %scan3A_18 to %scan3A_20 step %scan3A_21  : i32 {
        %jit3A = arith.constant 8 : i32
        %div3A = arith.divsi %scan3A_38, %jit3A : i32
        %sign3A = arith.constant 0 : i32
        %sign3A_39 = arith.cmpi sgt, %scan3A_38, %sign3A : i32
        %sign3A_40 = arith.extui %sign3A_39 : i1 to i32
        %sign3A_41 = arith.constant 0 : i32
        %sign3A_42 = arith.cmpi slt, %scan3A_38, %sign3A_41 : i32
        %sign3A_43 = arith.extui %sign3A_42 : i1 to i32
        %sign3A_44 = arith.subi %sign3A_40, %sign3A_43 : i32
        %sign3A_45 = arith.constant 0 : i32
        %sign3A_46 = arith.cmpi sgt, %jit3A, %sign3A_45 : i32
        %sign3A_47 = arith.extui %sign3A_46 : i1 to i32
        %sign3A_48 = arith.constant 0 : i32
        %sign3A_49 = arith.cmpi slt, %jit3A, %sign3A_48 : i32
        %sign3A_50 = arith.extui %sign3A_49 : i1 to i32
        %sign3A_51 = arith.subi %sign3A_47, %sign3A_50 : i32
        %ne3A = arith.cmpi ne, %sign3A_44, %sign3A_51 : i32
        %rem3A = arith.remsi %scan3A_38, %jit3A : i32
        %ne3A_52 = arith.constant 0 : i32
        %ne3A_53 = arith.cmpi ne, %rem3A, %ne3A_52 : i32
        %and3A = arith.andi %ne3A, %ne3A_53 : i1
        %sub3A_54 = arith.constant 1 : i32
        %sub3A_55 = arith.subi %div3A, %sub3A_54 : i32
        %select_n3A = arith.select %and3A, %sub3A_55, %div3A : i32
        %jit3A_56 = arith.constant 8 : i32
        %eq3A_57 = arith.constant 0 : i32
        %eq3A_58 = arith.cmpi eq, %jit3A_56, %eq3A_57 : i32
        %jit3A_59 = arith.constant 1 : i32
        %select_n3A_60 = arith.select %eq3A_58, %jit3A_59, %jit3A_56 : i32
        %rem3A_61 = arith.remsi %scan3A_38, %select_n3A_60 : i32
        %ne3A_62 = arith.constant 0 : i32
        %ne3A_63 = arith.cmpi ne, %rem3A_61, %ne3A_62 : i32
        %lt3A = arith.constant 0 : i32
        %lt3A_64 = arith.cmpi slt, %rem3A_61, %lt3A : i32
        %lt3A_65 = arith.constant 0 : i32
        %lt3A_66 = arith.cmpi slt, %select_n3A_60, %lt3A_65 : i32
        %ne3A_67 = arith.xori %lt3A_64, %lt3A_66 : i1
        %and3A_68 = arith.andi %ne3A_67, %ne3A_63 : i1
        %add3A_69 = arith.addi %rem3A_61, %select_n3A_60 : i32
        %select_n3A_70 = arith.select %and3A_68, %add3A_69, %rem3A_61 : i32
        %mul3A_71 = arith.constant 16 : i32
        %mul3A_72 = arith.muli %select_n3A_70, %mul3A_71 : i32
        %swap3A = arith.constant 0 : i32
        %swap3A_73 = arith.index_cast %swap3A : i32 to index
        %swap3A_74 = arith.index_cast %select_n3A : i32 to index
        %swap3A_75 = arith.index_cast %mul3A_72 : i32 to index
        %swap3A_76 = tpu.vector_load %arg7[%swap3A_73, %swap3A_74, %swap3A_75] {strides = array<i32>} : memref<2x128x128xf32, #tpu.memory_space<vmem>>, vector<1x1x16xf32>,
        %swap3A_77 = vector.shape_cast %swap3A_76 : vector<1x1x16xf32> to vector<16xf32>
        %swap3A_78 = vector.shape_cast %broadcast_in_dim3A_16 : vector<16xf32> to vector<1x1x16xf32>
        tpu.vector_store %arg7[%swap3A_73, %swap3A_74, %swap3A_75], %swap3A_78 {strides = array<i32>} : memref<2x128x128xf32, #tpu.memory_space<vmem>>, vector<1x1x16xf32>,
      }
      %scan3A_22 = arith.constant 1024 : i32
      %add3A_23 = arith.constant 0 : i32
      %add3A_24 = arith.addi %mul3A_2, %add3A_23 : i32
      %run_scoped3A = arith.constant 0 : i32
      "tpu.region"() ({
        %run_scoped3A_38 = tpu.sem_alloc : memref<!tpu.dma_semaphore, #tpu.memory_space<semaphore_mem>>
        %dma_start3A = arith.constant 0 : i32
        %dma_start3A_39 = arith.constant 0 : i32
        %dma_start3A_40 = tpu.memref_slice %arg7[%run_scoped3A, %dma_start3A, %dma_start3A_39] : memref<2x128x128xf32, #tpu.memory_space<vmem>> -> memref<1x128x128xf32, #tpu.memory_space<vmem>>
        %dma_start3A_41 = tpu.memref_squeeze %dma_start3A_40 : memref<1x128x128xf32, #tpu.memory_space<vmem>> -> memref<128x128xf32, #tpu.memory_space<vmem>>
        %dma_start3A_42 = arith.constant 0 : i32
        %dma_start3A_43 = tpu.memref_slice %arg8[%add3A_24, %dma_start3A_42] : memref<10112x128xf32, #tpu.memory_space<vmem_shared>> -> memref<128x128xf32, #tpu.memory_space<vmem_shared>>
        %dma_start3A_44 = arith.constant 0 : i32
        %dma_start3A_45 = tpu.memref_slice %arg8[%add3A_24, %dma_start3A_44] : memref<10112x128xf32, #tpu.memory_space<vmem_shared>> -> memref<128x128xf32, #tpu.memory_space<vmem_shared>>
        %dma_start3A_46 = arith.constant 0 : i32
        %dma_start3A_47 = arith.constant 0 : i32
        %dma_start3A_48 = tpu.memref_slice %arg7[%run_scoped3A, %dma_start3A_46, %dma_start3A_47] : memref<2x128x128xf32, #tpu.memory_space<vmem>> -> memref<1x128x128xf32, #tpu.memory_space<vmem>>
        %dma_start3A_49 = tpu.memref_squeeze %dma_start3A_48 : memref<1x128x128xf32, #tpu.memory_space<vmem>> -> memref<128x128xf32, #tpu.memory_space<vmem>>
        tpu.enqueue_dma source(%dma_start3A_49 : memref<128x128xf32, #tpu.memory_space<vmem>>) target(%dma_start3A_45 : memref<128x128xf32, #tpu.memory_space<vmem_shared>>) target_semaphore(%run_scoped3A_38 : memref<!tpu.dma_semaphore, #tpu.memory_space<semaphore_mem>>)
        %dma_wait3A = arith.constant 0 : i32
        %dma_wait3A_50 = arith.constant 0 : i32
        %dma_wait3A_51 = tpu.memref_slice %arg7[%run_scoped3A, %dma_wait3A, %dma_wait3A_50] : memref<2x128x128xf32, #tpu.memory_space<vmem>> -> memref<1x128x128xf32, #tpu.memory_space<vmem>>
        %dma_wait3A_52 = tpu.memref_squeeze %dma_wait3A_51 : memref<1x128x128xf32, #tpu.memory_space<vmem>> -> memref<128x128xf32, #tpu.memory_space<vmem>>
        %dma_wait3A_53 = arith.constant 0 : i32
        %dma_wait3A_54 = tpu.memref_slice %arg8[%add3A_24, %dma_wait3A_53] : memref<10112x128xf32, #tpu.memory_space<vmem_shared>> -> memref<128x128xf32, #tpu.memory_space<vmem_shared>>
        %dma_wait3A_55 = arith.constant 0 : i32
        %dma_wait3A_56 = tpu.memref_slice %arg8[%add3A_24, %dma_wait3A_55] : memref<10112x128xf32, #tpu.memory_space<vmem_shared>> -> memref<128x128xf32, #tpu.memory_space<vmem_shared>>
        %dma_wait3A_57 = arith.constant 0 : i32
        %dma_wait3A_58 = arith.constant 0 : i32
        %dma_wait3A_59 = tpu.memref_slice %arg7[%run_scoped3A, %dma_wait3A_57, %dma_wait3A_58] : memref<2x128x128xf32, #tpu.memory_space<vmem>> -> memref<1x128x128xf32, #tpu.memory_space<vmem>>
        %dma_wait3A_60 = tpu.memref_squeeze %dma_wait3A_59 : memref<1x128x128xf32, #tpu.memory_space<vmem>> -> memref<128x128xf32, #tpu.memory_space<vmem>>
        tpu.wait_dma2 semaphore(%run_scoped3A_38 : memref<!tpu.dma_semaphore, #tpu.memory_space<semaphore_mem>>) src(%dma_wait3A_60 : memref<128x128xf32, #tpu.memory_space<vmem>>) dst(%dma_wait3A_56 : memref<128x128xf32, #tpu.memory_space<vmem_shared>>)
        tpu.yield
      }) : () -> ()
      %add3A_25 = arith.constant 128 : i32
      %add3A_26 = arith.addi %mul3A_2, %add3A_25 : i32
      %run_scoped3A_27 = arith.constant 0 : i32
      "tpu.region"() ({
        %run_scoped3A_38 = tpu.sem_alloc : memref<!tpu.dma_semaphore, #tpu.memory_space<semaphore_mem>>
        %dma_start3A = arith.constant 0 : i32
        %dma_start3A_39 = arith.constant 0 : i32
        %dma_start3A_40 = tpu.memref_slice %arg7[%run_scoped3A_27, %dma_start3A, %dma_start3A_39] : memref<2x128x128xf32, #tpu.memory_space<vmem>> -> memref<1x128x128xf32, #tpu.memory_space<vmem>>
        %dma_start3A_41 = tpu.memref_squeeze %dma_start3A_40 : memref<1x128x128xf32, #tpu.memory_space<vmem>> -> memref<128x128xf32, #tpu.memory_space<vmem>>
        %dma_start3A_42 = arith.constant 0 : i32
        %dma_start3A_43 = tpu.memref_slice %arg8[%add3A_26, %dma_start3A_42] : memref<10112x128xf32, #tpu.memory_space<vmem_shared>> -> memref<128x128xf32, #tpu.memory_space<vmem_shared>>
        %dma_start3A_44 = arith.constant 0 : i32
        %dma_start3A_45 = tpu.memref_slice %arg8[%add3A_26, %dma_start3A_44] : memref<10112x128xf32, #tpu.memory_space<vmem_shared>> -> memref<128x128xf32, #tpu.memory_space<vmem_shared>>
        %dma_start3A_46 = arith.constant 0 : i32
        %dma_start3A_47 = arith.constant 0 : i32
        %dma_start3A_48 = tpu.memref_slice %arg7[%run_scoped3A_27, %dma_start3A_46, %dma_start3A_47] : memref<2x128x128xf32, #tpu.memory_space<vmem>> -> memref<1x128x128xf32, #tpu.memory_space<vmem>>
        %dma_start3A_49 = tpu.memref_squeeze %dma_start3A_48 : memref<1x128x128xf32, #tpu.memory_space<vmem>> -> memref<128x128xf32, #tpu.memory_space<vmem>>
        tpu.enqueue_dma source(%dma_start3A_49 : memref<128x128xf32, #tpu.memory_space<vmem>>) target(%dma_start3A_45 : memref<128x128xf32, #tpu.memory_space<vmem_shared>>) target_semaphore(%run_scoped3A_38 : memref<!tpu.dma_semaphore, #tpu.memory_space<semaphore_mem>>)
        %dma_wait3A = arith.constant 0 : i32
        %dma_wait3A_50 = arith.constant 0 : i32
        %dma_wait3A_51 = tpu.memref_slice %arg7[%run_scoped3A_27, %dma_wait3A, %dma_wait3A_50] : memref<2x128x128xf32, #tpu.memory_space<vmem>> -> memref<1x128x128xf32, #tpu.memory_space<vmem>>
        %dma_wait3A_52 = tpu.memref_squeeze %dma_wait3A_51 : memref<1x128x128xf32, #tpu.memory_space<vmem>> -> memref<128x128xf32, #tpu.memory_space<vmem>>
        %dma_wait3A_53 = arith.constant 0 : i32
        %dma_wait3A_54 = tpu.memref_slice %arg8[%add3A_26, %dma_wait3A_53] : memref<10112x128xf32, #tpu.memory_space<vmem_shared>> -> memref<128x128xf32, #tpu.memory_space<vmem_shared>>
        %dma_wait3A_55 = arith.constant 0 : i32
        %dma_wait3A_56 = tpu.memref_slice %arg8[%add3A_26, %dma_wait3A_55] : memref<10112x128xf32, #tpu.memory_space<vmem_shared>> -> memref<128x128xf32, #tpu.memory_space<vmem_shared>>
        %dma_wait3A_57 = arith.constant 0 : i32
        %dma_wait3A_58 = arith.constant 0 : i32
        %dma_wait3A_59 = tpu.memref_slice %arg7[%run_scoped3A_27, %dma_wait3A_57, %dma_wait3A_58] : memref<2x128x128xf32, #tpu.memory_space<vmem>> -> memref<1x128x128xf32, #tpu.memory_space<vmem>>
        %dma_wait3A_60 = tpu.memref_squeeze %dma_wait3A_59 : memref<1x128x128xf32, #tpu.memory_space<vmem>> -> memref<128x128xf32, #tpu.memory_space<vmem>>
        tpu.wait_dma2 semaphore(%run_scoped3A_38 : memref<!tpu.dma_semaphore, #tpu.memory_space<semaphore_mem>>) src(%dma_wait3A_60 : memref<128x128xf32, #tpu.memory_space<vmem>>) dst(%dma_wait3A_56 : memref<128x128xf32, #tpu.memory_space<vmem_shared>>)
        tpu.yield
      }) : () -> ()
      %add3A_28 = arith.constant 256 : i32
      %add3A_29 = arith.addi %mul3A_2, %add3A_28 : i32
      %run_scoped3A_30 = arith.constant 0 : i32
      "tpu.region"() ({
        %run_scoped3A_38 = tpu.sem_alloc : memref<!tpu.dma_semaphore, #tpu.memory_space<semaphore_mem>>
        %dma_start3A = arith.constant 0 : i32
        %dma_start3A_39 = arith.constant 0 : i32
        %dma_start3A_40 = tpu.memref_slice %arg7[%run_scoped3A_30, %dma_start3A, %dma_start3A_39] : memref<2x128x128xf32, #tpu.memory_space<vmem>> -> memref<1x128x128xf32, #tpu.memory_space<vmem>>
        %dma_start3A_41 = tpu.memref_squeeze %dma_start3A_40 : memref<1x128x128xf32, #tpu.memory_space<vmem>> -> memref<128x128xf32, #tpu.memory_space<vmem>>
        %dma_start3A_42 = arith.constant 0 : i32
        %dma_start3A_43 = tpu.memref_slice %arg8[%add3A_29, %dma_start3A_42] : memref<10112x128xf32, #tpu.memory_space<vmem_shared>> -> memref<128x128xf32, #tpu.memory_space<vmem_shared>>
        %dma_start3A_44 = arith.constant 0 : i32
        %dma_start3A_45 = tpu.memref_slice %arg8[%add3A_29, %dma_start3A_44] : memref<10112x128xf32, #tpu.memory_space<vmem_shared>> -> memref<128x128xf32, #tpu.memory_space<vmem_shared>>
        %dma_start3A_46 = arith.constant 0 : i32
        %dma_start3A_47 = arith.constant 0 : i32
        %dma_start3A_48 = tpu.memref_slice %arg7[%run_scoped3A_30, %dma_start3A_46, %dma_start3A_47] : memref<2x128x128xf32, #tpu.memory_space<vmem>> -> memref<1x128x128xf32, #tpu.memory_space<vmem>>
        %dma_start3A_49 = tpu.memref_squeeze %dma_start3A_48 : memref<1x128x128xf32, #tpu.memory_space<vmem>> -> memref<128x128xf32, #tpu.memory_space<vmem>>
        tpu.enqueue_dma source(%dma_start3A_49 : memref<128x128xf32, #tpu.memory_space<vmem>>) target(%dma_start3A_45 : memref<128x128xf32, #tpu.memory_space<vmem_shared>>) target_semaphore(%run_scoped3A_38 : memref<!tpu.dma_semaphore, #tpu.memory_space<semaphore_mem>>)
        %dma_wait3A = arith.constant 0 : i32
        %dma_wait3A_50 = arith.constant 0 : i32
        %dma_wait3A_51 = tpu.memref_slice %arg7[%run_scoped3A_30, %dma_wait3A, %dma_wait3A_50] : memref<2x128x128xf32, #tpu.memory_space<vmem>> -> memref<1x128x128xf32, #tpu.memory_space<vmem>>
        %dma_wait3A_52 = tpu.memref_squeeze %dma_wait3A_51 : memref<1x128x128xf32, #tpu.memory_space<vmem>> -> memref<128x128xf32, #tpu.memory_space<vmem>>
        %dma_wait3A_53 = arith.constant 0 : i32
        %dma_wait3A_54 = tpu.memref_slice %arg8[%add3A_29, %dma_wait3A_53] : memref<10112x128xf32, #tpu.memory_space<vmem_shared>> -> memref<128x128xf32, #tpu.memory_space<vmem_shared>>
        %dma_wait3A_55 = arith.constant 0 : i32
        %dma_wait3A_56 = tpu.memref_slice %arg8[%add3A_29, %dma_wait3A_55] : memref<10112x128xf32, #tpu.memory_space<vmem_shared>> -> memref<128x128xf32, #tpu.memory_space<vmem_shared>>
        %dma_wait3A_57 = arith.constant 0 : i32
        %dma_wait3A_58 = arith.constant 0 : i32
        %dma_wait3A_59 = tpu.memref_slice %arg7[%run_scoped3A_30, %dma_wait3A_57, %dma_wait3A_58] : memref<2x128x128xf32, #tpu.memory_space<vmem>> -> memref<1x128x128xf32, #tpu.memory_space<vmem>>
        %dma_wait3A_60 = tpu.memref_squeeze %dma_wait3A_59 : memref<1x128x128xf32, #tpu.memory_space<vmem>> -> memref<128x128xf32, #tpu.memory_space<vmem>>
        tpu.wait_dma2 semaphore(%run_scoped3A_38 : memref<!tpu.dma_semaphore, #tpu.memory_space<semaphore_mem>>) src(%dma_wait3A_60 : memref<128x128xf32, #tpu.memory_space<vmem>>) dst(%dma_wait3A_56 : memref<128x128xf32, #tpu.memory_space<vmem_shared>>)
        tpu.yield
      }) : () -> ()
      %add3A_31 = arith.constant 384 : i32
      %add3A_32 = arith.addi %mul3A_2, %add3A_31 : i32
      %run_scoped3A_33 = arith.constant 0 : i32
      "tpu.region"() ({
        %run_scoped3A_38 = tpu.sem_alloc : memref<!tpu.dma_semaphore, #tpu.memory_space<semaphore_mem>>
        %dma_start3A = arith.constant 0 : i32
        %dma_start3A_39 = arith.constant 0 : i32
        %dma_start3A_40 = tpu.memref_slice %arg7[%run_scoped3A_33, %dma_start3A, %dma_start3A_39] : memref<2x128x128xf32, #tpu.memory_space<vmem>> -> memref<1x128x128xf32, #tpu.memory_space<vmem>>
        %dma_start3A_41 = tpu.memref_squeeze %dma_start3A_40 : memref<1x128x128xf32, #tpu.memory_space<vmem>> -> memref<128x128xf32, #tpu.memory_space<vmem>>
        %dma_start3A_42 = arith.constant 0 : i32
        %dma_start3A_43 = tpu.memref_slice %arg8[%add3A_32, %dma_start3A_42] : memref<10112x128xf32, #tpu.memory_space<vmem_shared>> -> memref<128x128xf32, #tpu.memory_space<vmem_shared>>
        %dma_start3A_44 = arith.constant 0 : i32
        %dma_start3A_45 = tpu.memref_slice %arg8[%add3A_32, %dma_start3A_44] : memref<10112x128xf32, #tpu.memory_space<vmem_shared>> -> memref<128x128xf32, #tpu.memory_space<vmem_shared>>
        %dma_start3A_46 = arith.constant 0 : i32
        %dma_start3A_47 = arith.constant 0 : i32
        %dma_start3A_48 = tpu.memref_slice %arg7[%run_scoped3A_33, %dma_start3A_46, %dma_start3A_47] : memref<2x128x128xf32, #tpu.memory_space<vmem>> -> memref<1x128x128xf32, #tpu.memory_space<vmem>>
        %dma_start3A_49 = tpu.memref_squeeze %dma_start3A_48 : memref<1x128x128xf32, #tpu.memory_space<vmem>> -> memref<128x128xf32, #tpu.memory_space<vmem>>
        tpu.enqueue_dma source(%dma_start3A_49 : memref<128x128xf32, #tpu.memory_space<vmem>>) target(%dma_start3A_45 : memref<128x128xf32, #tpu.memory_space<vmem_shared>>) target_semaphore(%run_scoped3A_38 : memref<!tpu.dma_semaphore, #tpu.memory_space<semaphore_mem>>)
        %dma_wait3A = arith.constant 0 : i32
        %dma_wait3A_50 = arith.constant 0 : i32
        %dma_wait3A_51 = tpu.memref_slice %arg7[%run_scoped3A_33, %dma_wait3A, %dma_wait3A_50] : memref<2x128x128xf32, #tpu.memory_space<vmem>> -> memref<1x128x128xf32, #tpu.memory_space<vmem>>
        %dma_wait3A_52 = tpu.memref_squeeze %dma_wait3A_51 : memref<1x128x128xf32, #tpu.memory_space<vmem>> -> memref<128x128xf32, #tpu.memory_space<vmem>>
        %dma_wait3A_53 = arith.constant 0 : i32
        %dma_wait3A_54 = tpu.memref_slice %arg8[%add3A_32, %dma_wait3A_53] : memref<10112x128xf32, #tpu.memory_space<vmem_shared>> -> memref<128x128xf32, #tpu.memory_space<vmem_shared>>
        %dma_wait3A_55 = arith.constant 0 : i32
        %dma_wait3A_56 = tpu.memref_slice %arg8[%add3A_32, %dma_wait3A_55] : memref<10112x128xf32, #tpu.memory_space<vmem_shared>> -> memref<128x128xf32, #tpu.memory_space<vmem_shared>>
        %dma_wait3A_57 = arith.constant 0 : i32
        %dma_wait3A_58 = arith.constant 0 : i32
        %dma_wait3A_59 = tpu.memref_slice %arg7[%run_scoped3A_33, %dma_wait3A_57, %dma_wait3A_58] : memref<2x128x128xf32, #tpu.memory_space<vmem>> -> memref<1x128x128xf32, #tpu.memory_space<vmem>>
        %dma_wait3A_60 = tpu.memref_squeeze %dma_wait3A_59 : memref<1x128x128xf32, #tpu.memory_space<vmem>> -> memref<128x128xf32, #tpu.memory_space<vmem>>
        tpu.wait_dma2 semaphore(%run_scoped3A_38 : memref<!tpu.dma_semaphore, #tpu.memory_space<semaphore_mem>>) src(%dma_wait3A_60 : memref<128x128xf32, #tpu.memory_space<vmem>>) dst(%dma_wait3A_56 : memref<128x128xf32, #tpu.memory_space<vmem_shared>>)
        tpu.yield
      }) : () -> ()
      %add3A_34 = arith.constant 632 : i32
      %add3A_35 = arith.addi %mul3A_2, %add3A_34 : i32
      %sub3A = arith.constant 120 : i32
      %sub3A_36 = arith.subi %add3A_35, %sub3A : i32
      %run_scoped3A_37 = arith.constant 0 : i32
      "tpu.region"() ({
        %run_scoped3A_38 = tpu.sem_alloc : memref<!tpu.dma_semaphore, #tpu.memory_space<semaphore_mem>>
        %dma_start3A = arith.constant 0 : i32
        %dma_start3A_39 = arith.constant 0 : i32
        %dma_start3A_40 = tpu.memref_slice %arg7[%run_scoped3A_37, %dma_start3A, %dma_start3A_39] : memref<2x128x128xf32, #tpu.memory_space<vmem>> -> memref<1x120x128xf32, #tpu.memory_space<vmem>>
        %dma_start3A_41 = tpu.memref_squeeze %dma_start3A_40 : memref<1x120x128xf32, #tpu.memory_space<vmem>> -> memref<120x128xf32, #tpu.memory_space<vmem>>
        %dma_start3A_42 = arith.constant 0 : i32
        %dma_start3A_43 = tpu.memref_slice %arg8[%sub3A_36, %dma_start3A_42] : memref<10112x128xf32, #tpu.memory_space<vmem_shared>> -> memref<120x128xf32, #tpu.memory_space<vmem_shared>>
        %dma_start3A_44 = arith.constant 0 : i32
        %dma_start3A_45 = tpu.memref_slice %arg8[%sub3A_36, %dma_start3A_44] : memref<10112x128xf32, #tpu.memory_space<vmem_shared>> -> memref<120x128xf32, #tpu.memory_space<vmem_shared>>
        %dma_start3A_46 = arith.constant 0 : i32
        %dma_start3A_47 = arith.constant 0 : i32
        %dma_start3A_48 = tpu.memref_slice %arg7[%run_scoped3A_37, %dma_start3A_46, %dma_start3A_47] : memref<2x128x128xf32, #tpu.memory_space<vmem>> -> memref<1x120x128xf32, #tpu.memory_space<vmem>>
        %dma_start3A_49 = tpu.memref_squeeze %dma_start3A_48 : memref<1x120x128xf32, #tpu.memory_space<vmem>> -> memref<120x128xf32, #tpu.memory_space<vmem>>
        tpu.enqueue_dma source(%dma_start3A_49 : memref<120x128xf32, #tpu.memory_space<vmem>>) target(%dma_start3A_45 : memref<120x128xf32, #tpu.memory_space<vmem_shared>>) target_semaphore(%run_scoped3A_38 : memref<!tpu.dma_semaphore, #tpu.memory_space<semaphore_mem>>)
        %dma_wait3A = arith.constant 0 : i32
        %dma_wait3A_50 = arith.constant 0 : i32
        %dma_wait3A_51 = tpu.memref_slice %arg7[%run_scoped3A_37, %dma_wait3A, %dma_wait3A_50] : memref<2x128x128xf32, #tpu.memory_space<vmem>> -> memref<1x120x128xf32, #tpu.memory_space<vmem>>
        %dma_wait3A_52 = tpu.memref_squeeze %dma_wait3A_51 : memref<1x120x128xf32, #tpu.memory_space<vmem>> -> memref<120x128xf32, #tpu.memory_space<vmem>>
        %dma_wait3A_53 = arith.constant 0 : i32
        %dma_wait3A_54 = tpu.memref_slice %arg8[%sub3A_36, %dma_wait3A_53] : memref<10112x128xf32, #tpu.memory_space<vmem_shared>> -> memref<120x128xf32, #tpu.memory_space<vmem_shared>>
        %dma_wait3A_55 = arith.constant 0 : i32
        %dma_wait3A_56 = tpu.memref_slice %arg8[%sub3A_36, %dma_wait3A_55] : memref<10112x128xf32, #tpu.memory_space<vmem_shared>> -> memref<120x128xf32, #tpu.memory_space<vmem_shared>>
        %dma_wait3A_57 = arith.constant 0 : i32
        %dma_wait3A_58 = arith.constant 0 : i32
        %dma_wait3A_59 = tpu.memref_slice %arg7[%run_scoped3A_37, %dma_wait3A_57, %dma_wait3A_58] : memref<2x128x128xf32, #tpu.memory_space<vmem>> -> memref<1x120x128xf32, #tpu.memory_space<vmem>>
        %dma_wait3A_60 = tpu.memref_squeeze %dma_wait3A_59 : memref<1x120x128xf32, #tpu.memory_space<vmem>> -> memref<120x128xf32, #tpu.memory_space<vmem>>
        tpu.wait_dma2 semaphore(%run_scoped3A_38 : memref<!tpu.dma_semaphore, #tpu.memory_space<semaphore_mem>>) src(%dma_wait3A_60 : memref<120x128xf32, #tpu.memory_space<vmem>>) dst(%dma_wait3A_56 : memref<120x128xf32, #tpu.memory_space<vmem_shared>>)
        tpu.yield
      }) : () -> ()
    } else {
    }
    %barrier3A = arith.constant 0 : index
    tpu.barrier barrier_id(%barrier3A)
    %scan3A = arith.constant 0 : i32
    %scan3A_10 = arith.constant 0 : i32
    %scan3A_11 = arith.constant 5 : i32
    %scan3A_12 = arith.addi %scan3A_10, %scan3A_11 : i32
    %scan3A_13 = arith.constant 1 : i32
    scf.for %scan3A_16 = %scan3A_10 to %scan3A_12 step %scan3A_13  : i32 {
      %mul3A_17 = arith.constant 16 : i32
      %mul3A_18 = arith.muli %scan3A_16, %mul3A_17 : i32
      %run_scoped3A = arith.constant 0 : i32
      "tpu.region"() ({
        %run_scoped3A_50 = tpu.sem_alloc : memref<!tpu.dma_semaphore, #tpu.memory_space<semaphore_mem>>
        %dma_start3A_51 = arith.constant 0 : i32
        %dma_start3A_52 = tpu.memref_slice %arg3[%run_scoped3A, %add3A, %mul3A_18, %dma_start3A_51] : memref<2x32x80x128xi32, #tpu.memory_space<hbm>> -> memref<1x1x16x128xi32, #tpu.memory_space<hbm>>
        %dma_start3A_53 = tpu.memref_squeeze %dma_start3A_52 : memref<1x1x16x128xi32, #tpu.memory_space<hbm>> -> memref<16x128xi32, #tpu.memory_space<hbm>>
        %dma_start3A_54 = arith.constant 0 : i32
        %dma_start3A_55 = tpu.memref_slice %arg3[%run_scoped3A, %add3A, %mul3A_18, %dma_start3A_54] : memref<2x32x80x128xi32, #tpu.memory_space<hbm>> -> memref<1x1x16x128xi32, #tpu.memory_space<hbm>>
        %dma_start3A_56 = tpu.memref_squeeze %dma_start3A_55 : memref<1x1x16x128xi32, #tpu.memory_space<hbm>> -> memref<16x128xi32, #tpu.memory_space<hbm>>
        tpu.enqueue_dma source(%dma_start3A_56 : memref<16x128xi32, #tpu.memory_space<hbm>>) target(%arg5 : memref<16x128xi32, #tpu.memory_space<vmem>>) target_semaphore(%run_scoped3A_50 : memref<!tpu.dma_semaphore, #tpu.memory_space<semaphore_mem>>)
        %dma_wait3A_57 = arith.constant 0 : i32
        %dma_wait3A_58 = tpu.memref_slice %arg3[%run_scoped3A, %add3A, %mul3A_18, %dma_wait3A_57] : memref<2x32x80x128xi32, #tpu.memory_space<hbm>> -> memref<1x1x16x128xi32, #tpu.memory_space<hbm>>
        %dma_wait3A_59 = tpu.memref_squeeze %dma_wait3A_58 : memref<1x1x16x128xi32, #tpu.memory_space<hbm>> -> memref<16x128xi32, #tpu.memory_space<hbm>>
        %dma_wait3A_60 = arith.constant 0 : i32
        %dma_wait3A_61 = tpu.memref_slice %arg3[%run_scoped3A, %add3A, %mul3A_18, %dma_wait3A_60] : memref<2x32x80x128xi32, #tpu.memory_space<hbm>> -> memref<1x1x16x128xi32, #tpu.memory_space<hbm>>
        %dma_wait3A_62 = tpu.memref_squeeze %dma_wait3A_61 : memref<1x1x16x128xi32, #tpu.memory_space<hbm>> -> memref<16x128xi32, #tpu.memory_space<hbm>>
        tpu.wait_dma2 semaphore(%run_scoped3A_50 : memref<!tpu.dma_semaphore, #tpu.memory_space<semaphore_mem>>) src(%dma_wait3A_62 : memref<16x128xi32, #tpu.memory_space<hbm>>) dst(%arg5 : memref<16x128xi32, #tpu.memory_space<vmem>>)
        tpu.yield
      }) : () -> ()
      %mul3A_19 = arith.constant 16 : i32
      %mul3A_20 = arith.muli %scan3A_16, %mul3A_19 : i32
      %run_scoped3A_21 = arith.constant 1 : i32
      "tpu.region"() ({
        %run_scoped3A_50 = tpu.sem_alloc : memref<!tpu.dma_semaphore, #tpu.memory_space<semaphore_mem>>
        %dma_start3A_51 = arith.constant 0 : i32
        %dma_start3A_52 = tpu.memref_slice %arg3[%run_scoped3A_21, %add3A, %mul3A_20, %dma_start3A_51] : memref<2x32x80x128xi32, #tpu.memory_space<hbm>> -> memref<1x1x16x128xi32, #tpu.memory_space<hbm>>
        %dma_start3A_53 = tpu.memref_squeeze %dma_start3A_52 : memref<1x1x16x128xi32, #tpu.memory_space<hbm>> -> memref<16x128xi32, #tpu.memory_space<hbm>>
        %dma_start3A_54 = arith.constant 0 : i32
        %dma_start3A_55 = tpu.memref_slice %arg3[%run_scoped3A_21, %add3A, %mul3A_20, %dma_start3A_54] : memref<2x32x80x128xi32, #tpu.memory_space<hbm>> -> memref<1x1x16x128xi32, #tpu.memory_space<hbm>>
        %dma_start3A_56 = tpu.memref_squeeze %dma_start3A_55 : memref<1x1x16x128xi32, #tpu.memory_space<hbm>> -> memref<16x128xi32, #tpu.memory_space<hbm>>
        tpu.enqueue_dma source(%dma_start3A_56 : memref<16x128xi32, #tpu.memory_space<hbm>>) target(%arg6 : memref<16x128xi32, #tpu.memory_space<vmem>>) target_semaphore(%run_scoped3A_50 : memref<!tpu.dma_semaphore, #tpu.memory_space<semaphore_mem>>)
        %dma_wait3A_57 = arith.constant 0 : i32
        %dma_wait3A_58 = tpu.memref_slice %arg3[%run_scoped3A_21, %add3A, %mul3A_20, %dma_wait3A_57] : memref<2x32x80x128xi32, #tpu.memory_space<hbm>> -> memref<1x1x16x128xi32, #tpu.memory_space<hbm>>
        %dma_wait3A_59 = tpu.memref_squeeze %dma_wait3A_58 : memref<1x1x16x128xi32, #tpu.memory_space<hbm>> -> memref<16x128xi32, #tpu.memory_space<hbm>>
        %dma_wait3A_60 = arith.constant 0 : i32
        %dma_wait3A_61 = tpu.memref_slice %arg3[%run_scoped3A_21, %add3A, %mul3A_20, %dma_wait3A_60] : memref<2x32x80x128xi32, #tpu.memory_space<hbm>> -> memref<1x1x16x128xi32, #tpu.memory_space<hbm>>
        %dma_wait3A_62 = tpu.memref_squeeze %dma_wait3A_61 : memref<1x1x16x128xi32, #tpu.memory_space<hbm>> -> memref<16x128xi32, #tpu.memory_space<hbm>>
        tpu.wait_dma2 semaphore(%run_scoped3A_50 : memref<!tpu.dma_semaphore, #tpu.memory_space<semaphore_mem>>) src(%dma_wait3A_62 : memref<16x128xi32, #tpu.memory_space<hbm>>) dst(%arg6 : memref<16x128xi32, #tpu.memory_space<vmem>>)
        tpu.yield
      }) : () -> ()
      %dma_start3A = arith.constant 0 : i32
      %dma_start3A_22 = arith.constant 0 : i32
      %dma_start3A_23 = arith.constant 0 : i32
      %dma_start3A_24 = arith.constant 0 : i32
      %dma_start3A_25 = tpu.memref_slice %arg7[%dma_start3A_22, %dma_start3A_23, %dma_start3A_24] : memref<2x128x128xf32, #tpu.memory_space<vmem>> -> memref<1x128x128xf32, #tpu.memory_space<vmem>>
      %dma_start3A_26 = tpu.memref_squeeze %dma_start3A_25 : memref<1x128x128xf32, #tpu.memory_space<vmem>> -> memref<128x128xf32, #tpu.memory_space<vmem>>
      %dma_start3A_27 = arith.constant 0 : i32
      %dma_start3A_28 = tpu.memref_slice %arg5[%dma_start3A, %dma_start3A_27] : memref<16x128xi32, #tpu.memory_space<vmem>> -> memref<1x128xi32, #tpu.memory_space<vmem>>
      %dma_start3A_29 = tpu.memref_squeeze %dma_start3A_28 : memref<1x128xi32, #tpu.memory_space<vmem>> -> memref<128xi32, #tpu.memory_space<vmem>>
      %dma_start3A_30 = arith.constant 0 : i32
      %dma_start3A_31 = arith.constant 0 : i32
      %dma_start3A_32 = tpu.memref_slice %arg2[%dma_start3A_30, %dma_start3A_31] : memref<10000x128xf32, #tpu.memory_space<hbm>> -> memref<10000x128xf32, #tpu.memory_space<hbm>>
      tpu.enqueue_indirect_dma source(%dma_start3A_32 : memref<10000x128xf32, #tpu.memory_space<hbm>>) target(%dma_start3A_26 : memref<128x128xf32, #tpu.memory_space<vmem>>) offsets(%dma_start3A_29 : memref<128xi32, #tpu.memory_space<vmem>>) semaphore(%arg9 : memref<!tpu.dma_semaphore, #tpu.memory_space<semaphore_mem>>)
      %scan3A_33 = arith.constant 0 : i32
      %scan3A_34 = arith.constant 0 : i32
      %scan3A_35 = arith.constant 8 : i32
      %scan3A_36 = arith.addi %scan3A_34, %scan3A_35 : i32
      %scan3A_37 = arith.constant 1 : i32
      scf.for %scan3A_50 = %scan3A_34 to %scan3A_36 step %scan3A_37  : i32 {
        %mul3A_51 = arith.constant 2 : i32
        %mul3A_52 = arith.muli %scan3A_50, %mul3A_51 : i32
        %add3A_53 = arith.constant 0 : i32
        %add3A_54 = arith.addi %mul3A_52, %add3A_53 : i32
        %add3A_55 = arith.constant 1 : i32
        %add3A_56 = arith.addi %add3A_54, %add3A_55 : i32
        %jit3A = arith.constant 16 : i32
        %eq3A_57 = arith.constant 0 : i32
        %eq3A_58 = arith.cmpi eq, %jit3A, %eq3A_57 : i32
        %jit3A_59 = arith.constant 1 : i32
        %select_n3A = arith.select %eq3A_58, %jit3A_59, %jit3A : i32
        %rem3A = arith.remsi %add3A_56, %select_n3A : i32
        %ne3A = arith.constant 0 : i32
        %ne3A_60 = arith.cmpi ne, %rem3A, %ne3A : i32
        %lt3A = arith.constant 0 : i32
        %lt3A_61 = arith.cmpi slt, %rem3A, %lt3A : i32
        %lt3A_62 = arith.constant 0 : i32
        %lt3A_63 = arith.cmpi slt, %select_n3A, %lt3A_62 : i32
        %ne3A_64 = arith.xori %lt3A_61, %lt3A_63 : i1
        %and3A = arith.andi %ne3A_64, %ne3A_60 : i1
        %add3A_65 = arith.addi %rem3A, %select_n3A : i32
        %select_n3A_66 = arith.select %and3A, %add3A_65, %rem3A : i32
        %dma_start3A_67 = arith.constant 1 : i32
        %dma_start3A_68 = arith.constant 0 : i32
        %dma_start3A_69 = arith.constant 0 : i32
        %dma_start3A_70 = tpu.memref_slice %arg7[%dma_start3A_67, %dma_start3A_68, %dma_start3A_69] : memref<2x128x128xf32, #tpu.memory_space<vmem>> -> memref<1x128x128xf32, #tpu.memory_space<vmem>>
        %dma_start3A_71 = tpu.memref_squeeze %dma_start3A_70 : memref<1x128x128xf32, #tpu.memory_space<vmem>> -> memref<128x128xf32, #tpu.memory_space<vmem>>
        %dma_start3A_72 = arith.constant 0 : i32
        %dma_start3A_73 = tpu.memref_slice %arg5[%select_n3A_66, %dma_start3A_72] : memref<16x128xi32, #tpu.memory_space<vmem>> -> memref<1x128xi32, #tpu.memory_space<vmem>>
        %dma_start3A_74 = tpu.memref_squeeze %dma_start3A_73 : memref<1x128xi32, #tpu.memory_space<vmem>> -> memref<128xi32, #tpu.memory_space<vmem>>
        %dma_start3A_75 = arith.constant 0 : i32
        %dma_start3A_76 = arith.constant 0 : i32
        %dma_start3A_77 = tpu.memref_slice %arg2[%dma_start3A_75, %dma_start3A_76] : memref<10000x128xf32, #tpu.memory_space<hbm>> -> memref<10000x128xf32, #tpu.memory_space<hbm>>
        tpu.enqueue_indirect_dma source(%dma_start3A_77 : memref<10000x128xf32, #tpu.memory_space<hbm>>) target(%dma_start3A_71 : memref<128x128xf32, #tpu.memory_space<vmem>>) offsets(%dma_start3A_74 : memref<128xi32, #tpu.memory_space<vmem>>) semaphore(%arg10 : memref<!tpu.dma_semaphore, #tpu.memory_space<semaphore_mem>>)
        %dma_wait3A_78 = arith.constant 0 : i32
        %dma_wait3A_79 = arith.constant 0 : i32
        %dma_wait3A_80 = arith.constant 0 : i32
        %dma_wait3A_81 = tpu.memref_slice %arg7[%dma_wait3A_78, %dma_wait3A_79, %dma_wait3A_80] : memref<2x128x128xf32, #tpu.memory_space<vmem>> -> memref<1x128x128xf32, #tpu.memory_space<vmem>>
        %dma_wait3A_82 = tpu.memref_squeeze %dma_wait3A_81 : memref<1x128x128xf32, #tpu.memory_space<vmem>> -> memref<128x128xf32, #tpu.memory_space<vmem>>
        %dma_wait3A_83 = arith.constant 0 : i32
        %dma_wait3A_84 = tpu.memref_slice %arg5[%add3A_54, %dma_wait3A_83] : memref<16x128xi32, #tpu.memory_space<vmem>> -> memref<1x128xi32, #tpu.memory_space<vmem>>
        %dma_wait3A_85 = tpu.memref_squeeze %dma_wait3A_84 : memref<1x128xi32, #tpu.memory_space<vmem>> -> memref<128xi32, #tpu.memory_space<vmem>>
        %dma_wait3A_86 = arith.constant 0 : i32
        %dma_wait3A_87 = arith.constant 0 : i32
        %dma_wait3A_88 = tpu.memref_slice %arg2[%dma_wait3A_86, %dma_wait3A_87] : memref<10000x128xf32, #tpu.memory_space<hbm>> -> memref<10000x128xf32, #tpu.memory_space<hbm>>
        tpu.wait_indirect_dma semaphore(%arg9 : memref<!tpu.dma_semaphore, #tpu.memory_space<semaphore_mem>>) src(%dma_wait3A_88 : memref<10000x128xf32, #tpu.memory_space<hbm>>) dst(%dma_wait3A_82 : memref<128x128xf32, #tpu.memory_space<vmem>>)
        %run_scoped3A_89 = arith.constant 0 : i32
        "tpu.region"() ({
          %run_scoped3A_133 = tpu.sem_alloc : memref<!tpu.dma_semaphore, #tpu.memory_space<semaphore_mem>>
          %dma_start3A_134 = arith.constant 0 : i32
          %dma_start3A_135 = arith.constant 0 : i32
          %dma_start3A_136 = tpu.memref_slice %arg7[%run_scoped3A_89, %dma_start3A_134, %dma_start3A_135] : memref<2x128x128xf32, #tpu.memory_space<vmem>> -> memref<1x128x128xf32, #tpu.memory_space<vmem>>
          %dma_start3A_137 = tpu.memref_squeeze %dma_start3A_136 : memref<1x128x128xf32, #tpu.memory_space<vmem>> -> memref<128x128xf32, #tpu.memory_space<vmem>>
          %dma_start3A_138 = arith.constant 0 : i32
          %dma_start3A_139 = tpu.memref_slice %arg6[%add3A_54, %dma_start3A_138] : memref<16x128xi32, #tpu.memory_space<vmem>> -> memref<1x128xi32, #tpu.memory_space<vmem>>
          %dma_start3A_140 = tpu.memref_squeeze %dma_start3A_139 : memref<1x128xi32, #tpu.memory_space<vmem>> -> memref<128xi32, #tpu.memory_space<vmem>>
          %dma_start3A_141 = arith.constant 0 : i32
          %dma_start3A_142 = arith.constant 0 : i32
          %dma_start3A_143 = tpu.memref_slice %arg8[%dma_start3A_141, %dma_start3A_142] : memref<10112x128xf32, #tpu.memory_space<vmem_shared>> -> memref<10112x128xf32, #tpu.memory_space<vmem_shared>>
          tpu.enqueue_indirect_dma source(%dma_start3A_137 : memref<128x128xf32, #tpu.memory_space<vmem>>) target(%dma_start3A_143 : memref<10112x128xf32, #tpu.memory_space<vmem_shared>>) offsets(%dma_start3A_140 : memref<128xi32, #tpu.memory_space<vmem>>) semaphore(%run_scoped3A_133 : memref<!tpu.dma_semaphore, #tpu.memory_space<semaphore_mem>>) {add = true}
          %dma_wait3A_144 = arith.constant 0 : i32
          %dma_wait3A_145 = arith.constant 0 : i32
          %dma_wait3A_146 = tpu.memref_slice %arg7[%run_scoped3A_89, %dma_wait3A_144, %dma_wait3A_145] : memref<2x128x128xf32, #tpu.memory_space<vmem>> -> memref<1x128x128xf32, #tpu.memory_space<vmem>>
          %dma_wait3A_147 = tpu.memref_squeeze %dma_wait3A_146 : memref<1x128x128xf32, #tpu.memory_space<vmem>> -> memref<128x128xf32, #tpu.memory_space<vmem>>
          %dma_wait3A_148 = arith.constant 0 : i32
          %dma_wait3A_149 = tpu.memref_slice %arg6[%add3A_54, %dma_wait3A_148] : memref<16x128xi32, #tpu.memory_space<vmem>> -> memref<1x128xi32, #tpu.memory_space<vmem>>
          %dma_wait3A_150 = tpu.memref_squeeze %dma_wait3A_149 : memref<1x128xi32, #tpu.memory_space<vmem>> -> memref<128xi32, #tpu.memory_space<vmem>>
          %dma_wait3A_151 = arith.constant 0 : i32
          %dma_wait3A_152 = arith.constant 0 : i32
          %dma_wait3A_153 = tpu.memref_slice %arg8[%dma_wait3A_151, %dma_wait3A_152] : memref<10112x128xf32, #tpu.memory_space<vmem_shared>> -> memref<10112x128xf32, #tpu.memory_space<vmem_shared>>
          tpu.wait_indirect_dma semaphore(%run_scoped3A_133 : memref<!tpu.dma_semaphore, #tpu.memory_space<semaphore_mem>>) src(%dma_wait3A_147 : memref<128x128xf32, #tpu.memory_space<vmem>>) dst(%dma_wait3A_153 : memref<10112x128xf32, #tpu.memory_space<vmem_shared>>)
          tpu.yield
        }) : () -> ()
        %add3A_90 = arith.constant 1 : i32
        %add3A_91 = arith.addi %mul3A_52, %add3A_90 : i32
        %add3A_92 = arith.constant 1 : i32
        %add3A_93 = arith.addi %add3A_91, %add3A_92 : i32
        %jit3A_94 = arith.constant 16 : i32
        %eq3A_95 = arith.constant 0 : i32
        %eq3A_96 = arith.cmpi eq, %jit3A_94, %eq3A_95 : i32
        %jit3A_97 = arith.constant 1 : i32
        %select_n3A_98 = arith.select %eq3A_96, %jit3A_97, %jit3A_94 : i32
        %rem3A_99 = arith.remsi %add3A_93, %select_n3A_98 : i32
        %ne3A_100 = arith.constant 0 : i32
        %ne3A_101 = arith.cmpi ne, %rem3A_99, %ne3A_100 : i32
        %lt3A_102 = arith.constant 0 : i32
        %lt3A_103 = arith.cmpi slt, %rem3A_99, %lt3A_102 : i32
        %lt3A_104 = arith.constant 0 : i32
        %lt3A_105 = arith.cmpi slt, %select_n3A_98, %lt3A_104 : i32
        %ne3A_106 = arith.xori %lt3A_103, %lt3A_105 : i1
        %and3A_107 = arith.andi %ne3A_106, %ne3A_101 : i1
        %add3A_108 = arith.addi %rem3A_99, %select_n3A_98 : i32
        %select_n3A_109 = arith.select %and3A_107, %add3A_108, %rem3A_99 : i32
        %dma_start3A_110 = arith.constant 0 : i32
        %dma_start3A_111 = arith.constant 0 : i32
        %dma_start3A_112 = arith.constant 0 : i32
        %dma_start3A_113 = tpu.memref_slice %arg7[%dma_start3A_110, %dma_start3A_111, %dma_start3A_112] : memref<2x128x128xf32, #tpu.memory_space<vmem>> -> memref<1x128x128xf32, #tpu.memory_space<vmem>>
        %dma_start3A_114 = tpu.memref_squeeze %dma_start3A_113 : memref<1x128x128xf32, #tpu.memory_space<vmem>> -> memref<128x128xf32, #tpu.memory_space<vmem>>
        %dma_start3A_115 = arith.constant 0 : i32
        %dma_start3A_116 = tpu.memref_slice %arg5[%select_n3A_109, %dma_start3A_115] : memref<16x128xi32, #tpu.memory_space<vmem>> -> memref<1x128xi32, #tpu.memory_space<vmem>>
        %dma_start3A_117 = tpu.memref_squeeze %dma_start3A_116 : memref<1x128xi32, #tpu.memory_space<vmem>> -> memref<128xi32, #tpu.memory_space<vmem>>
        %dma_start3A_118 = arith.constant 0 : i32
        %dma_start3A_119 = arith.constant 0 : i32
        %dma_start3A_120 = tpu.memref_slice %arg2[%dma_start3A_118, %dma_start3A_119] : memref<10000x128xf32, #tpu.memory_space<hbm>> -> memref<10000x128xf32, #tpu.memory_space<hbm>>
        tpu.enqueue_indirect_dma source(%dma_start3A_120 : memref<10000x128xf32, #tpu.memory_space<hbm>>) target(%dma_start3A_114 : memref<128x128xf32, #tpu.memory_space<vmem>>) offsets(%dma_start3A_117 : memref<128xi32, #tpu.memory_space<vmem>>) semaphore(%arg9 : memref<!tpu.dma_semaphore, #tpu.memory_space<semaphore_mem>>)
        %dma_wait3A_121 = arith.constant 1 : i32
        %dma_wait3A_122 = arith.constant 0 : i32
        %dma_wait3A_123 = arith.constant 0 : i32
        %dma_wait3A_124 = tpu.memref_slice %arg7[%dma_wait3A_121, %dma_wait3A_122, %dma_wait3A_123] : memref<2x128x128xf32, #tpu.memory_space<vmem>> -> memref<1x128x128xf32, #tpu.memory_space<vmem>>
        %dma_wait3A_125 = tpu.memref_squeeze %dma_wait3A_124 : memref<1x128x128xf32, #tpu.memory_space<vmem>> -> memref<128x128xf32, #tpu.memory_space<vmem>>
        %dma_wait3A_126 = arith.constant 0 : i32
        %dma_wait3A_127 = tpu.memref_slice %arg5[%add3A_91, %dma_wait3A_126] : memref<16x128xi32, #tpu.memory_space<vmem>> -> memref<1x128xi32, #tpu.memory_space<vmem>>
        %dma_wait3A_128 = tpu.memref_squeeze %dma_wait3A_127 : memref<1x128xi32, #tpu.memory_space<vmem>> -> memref<128xi32, #tpu.memory_space<vmem>>
        %dma_wait3A_129 = arith.constant 0 : i32
        %dma_wait3A_130 = arith.constant 0 : i32
        %dma_wait3A_131 = tpu.memref_slice %arg2[%dma_wait3A_129, %dma_wait3A_130] : memref<10000x128xf32, #tpu.memory_space<hbm>> -> memref<10000x128xf32, #tpu.memory_space<hbm>>
        tpu.wait_indirect_dma semaphore(%arg10 : memref<!tpu.dma_semaphore, #tpu.memory_space<semaphore_mem>>) src(%dma_wait3A_131 : memref<10000x128xf32, #tpu.memory_space<hbm>>) dst(%dma_wait3A_125 : memref<128x128xf32, #tpu.memory_space<vmem>>)
        %run_scoped3A_132 = arith.constant 1 : i32
        "tpu.region"() ({
          %run_scoped3A_133 = tpu.sem_alloc : memref<!tpu.dma_semaphore, #tpu.memory_space<semaphore_mem>>
          %dma_start3A_134 = arith.constant 0 : i32
          %dma_start3A_135 = arith.constant 0 : i32
          %dma_start3A_136 = tpu.memref_slice %arg7[%run_scoped3A_132, %dma_start3A_134, %dma_start3A_135] : memref<2x128x128xf32, #tpu.memory_space<vmem>> -> memref<1x128x128xf32, #tpu.memory_space<vmem>>
          %dma_start3A_137 = tpu.memref_squeeze %dma_start3A_136 : memref<1x128x128xf32, #tpu.memory_space<vmem>> -> memref<128x128xf32, #tpu.memory_space<vmem>>
          %dma_start3A_138 = arith.constant 0 : i32
          %dma_start3A_139 = tpu.memref_slice %arg6[%add3A_91, %dma_start3A_138] : memref<16x128xi32, #tpu.memory_space<vmem>> -> memref<1x128xi32, #tpu.memory_space<vmem>>
          %dma_start3A_140 = tpu.memref_squeeze %dma_start3A_139 : memref<1x128xi32, #tpu.memory_space<vmem>> -> memref<128xi32, #tpu.memory_space<vmem>>
          %dma_start3A_141 = arith.constant 0 : i32
          %dma_start3A_142 = arith.constant 0 : i32
          %dma_start3A_143 = tpu.memref_slice %arg8[%dma_start3A_141, %dma_start3A_142] : memref<10112x128xf32, #tpu.memory_space<vmem_shared>> -> memref<10112x128xf32, #tpu.memory_space<vmem_shared>>
          tpu.enqueue_indirect_dma source(%dma_start3A_137 : memref<128x128xf32, #tpu.memory_space<vmem>>) target(%dma_start3A_143 : memref<10112x128xf32, #tpu.memory_space<vmem_shared>>) offsets(%dma_start3A_140 : memref<128xi32, #tpu.memory_space<vmem>>) semaphore(%run_scoped3A_133 : memref<!tpu.dma_semaphore, #tpu.memory_space<semaphore_mem>>) {add = true}
          %dma_wait3A_144 = arith.constant 0 : i32
          %dma_wait3A_145 = arith.constant 0 : i32
          %dma_wait3A_146 = tpu.memref_slice %arg7[%run_scoped3A_132, %dma_wait3A_144, %dma_wait3A_145] : memref<2x128x128xf32, #tpu.memory_space<vmem>> -> memref<1x128x128xf32, #tpu.memory_space<vmem>>
          %dma_wait3A_147 = tpu.memref_squeeze %dma_wait3A_146 : memref<1x128x128xf32, #tpu.memory_space<vmem>> -> memref<128x128xf32, #tpu.memory_space<vmem>>
          %dma_wait3A_148 = arith.constant 0 : i32
          %dma_wait3A_149 = tpu.memref_slice %arg6[%add3A_91, %dma_wait3A_148] : memref<16x128xi32, #tpu.memory_space<vmem>> -> memref<1x128xi32, #tpu.memory_space<vmem>>
          %dma_wait3A_150 = tpu.memref_squeeze %dma_wait3A_149 : memref<1x128xi32, #tpu.memory_space<vmem>> -> memref<128xi32, #tpu.memory_space<vmem>>
          %dma_wait3A_151 = arith.constant 0 : i32
          %dma_wait3A_152 = arith.constant 0 : i32
          %dma_wait3A_153 = tpu.memref_slice %arg8[%dma_wait3A_151, %dma_wait3A_152] : memref<10112x128xf32, #tpu.memory_space<vmem_shared>> -> memref<10112x128xf32, #tpu.memory_space<vmem_shared>>
          tpu.wait_indirect_dma semaphore(%run_scoped3A_133 : memref<!tpu.dma_semaphore, #tpu.memory_space<semaphore_mem>>) src(%dma_wait3A_147 : memref<128x128xf32, #tpu.memory_space<vmem>>) dst(%dma_wait3A_153 : memref<10112x128xf32, #tpu.memory_space<vmem_shared>>)
          tpu.yield
        }) : () -> ()
      }
      %scan3A_38 = arith.constant 8 : i32
      %dma_wait3A = arith.constant 0 : i32
      %dma_wait3A_39 = arith.constant 0 : i32
      %dma_wait3A_40 = arith.constant 0 : i32
      %dma_wait3A_41 = arith.constant 0 : i32
      %dma_wait3A_42 = tpu.memref_slice %arg7[%dma_wait3A_39, %dma_wait3A_40, %dma_wait3A_41] : memref<2x128x128xf32, #tpu.memory_space<vmem>> -> memref<1x128x128xf32, #tpu.memory_space<vmem>>
      %dma_wait3A_43 = tpu.memref_squeeze %dma_wait3A_42 : memref<1x128x128xf32, #tpu.memory_space<vmem>> -> memref<128x128xf32, #tpu.memory_space<vmem>>
      %dma_wait3A_44 = arith.constant 0 : i32
      %dma_wait3A_45 = tpu.memref_slice %arg5[%dma_wait3A, %dma_wait3A_44] : memref<16x128xi32, #tpu.memory_space<vmem>> -> memref<1x128xi32, #tpu.memory_space<vmem>>
      %dma_wait3A_46 = tpu.memref_squeeze %dma_wait3A_45 : memref<1x128xi32, #tpu.memory_space<vmem>> -> memref<128xi32, #tpu.memory_space<vmem>>
      %dma_wait3A_47 = arith.constant 0 : i32
      %dma_wait3A_48 = arith.constant 0 : i32
      %dma_wait3A_49 = tpu.memref_slice %arg2[%dma_wait3A_47, %dma_wait3A_48] : memref<10000x128xf32, #tpu.memory_space<hbm>> -> memref<10000x128xf32, #tpu.memory_space<hbm>>
      tpu.wait_indirect_dma semaphore(%arg9 : memref<!tpu.dma_semaphore, #tpu.memory_space<semaphore_mem>>) src(%dma_wait3A_49 : memref<10000x128xf32, #tpu.memory_space<hbm>>) dst(%dma_wait3A_43 : memref<128x128xf32, #tpu.memory_space<vmem>>)
    }
    %scan3A_14 = arith.constant 5 : i32
    %barrier3A_15 = arith.constant 0 : index
    tpu.barrier barrier_id(%barrier3A_15)
    "tpu.region"() ({
      %run_scoped3A = tpu.sem_alloc : memref<!tpu.dma_semaphore, #tpu.memory_space<semaphore_mem>>
      %dma_start3A = arith.constant 0 : i32
      %dma_start3A_16 = tpu.memref_slice %arg4[%arg0, %mul3A_2, %dma_start3A] : memref<2x10112x128xf32, #tpu.memory_space<hbm>> -> memref<1x632x128xf32, #tpu.memory_space<hbm>>
      %dma_start3A_17 = tpu.memref_squeeze %dma_start3A_16 : memref<1x632x128xf32, #tpu.memory_space<hbm>> -> memref<632x128xf32, #tpu.memory_space<hbm>>
      %dma_start3A_18 = arith.constant 0 : i32
      %dma_start3A_19 = tpu.memref_slice %arg8[%mul3A_2, %dma_start3A_18] : memref<10112x128xf32, #tpu.memory_space<vmem_shared>> -> memref<632x128xf32, #tpu.memory_space<vmem_shared>>
      tpu.enqueue_dma source(%dma_start3A_19 : memref<632x128xf32, #tpu.memory_space<vmem_shared>>) target(%dma_start3A_17 : memref<632x128xf32, #tpu.memory_space<hbm>>) target_semaphore(%run_scoped3A : memref<!tpu.dma_semaphore, #tpu.memory_space<semaphore_mem>>)
      %dma_wait3A = arith.constant 0 : i32
      %dma_wait3A_20 = tpu.memref_slice %arg4[%arg0, %mul3A_2, %dma_wait3A] : memref<2x10112x128xf32, #tpu.memory_space<hbm>> -> memref<1x632x128xf32, #tpu.memory_space<hbm>>
      %dma_wait3A_21 = tpu.memref_squeeze %dma_wait3A_20 : memref<1x632x128xf32, #tpu.memory_space<hbm>> -> memref<632x128xf32, #tpu.memory_space<hbm>>
      %dma_wait3A_22 = arith.constant 0 : i32
      %dma_wait3A_23 = tpu.memref_slice %arg8[%mul3A_2, %dma_wait3A_22] : memref<10112x128xf32, #tpu.memory_space<vmem_shared>> -> memref<632x128xf32, #tpu.memory_space<vmem_shared>>
      tpu.wait_dma2 semaphore(%run_scoped3A : memref<!tpu.dma_semaphore, #tpu.memory_space<semaphore_mem>>) src(%dma_wait3A_23 : memref<632x128xf32, #tpu.memory_space<vmem_shared>>) dst(%dma_wait3A_21 : memref<632x128xf32, #tpu.memory_space<hbm>>)
      tpu.yield
    }) : () -> ()
    return
  }
}

module attributes {stable_mosaic.version = 14 : i64} {
  func.func @mm_body(%arg0: i32, %arg1: memref<1x1000x128xf32, #tpu.memory_space<vmem>>, %arg2: memref<1x1000x128xf32, #tpu.memory_space<vmem>>, %arg3: memref<128x128xf32, #tpu.memory_space<vmem>>, %arg4: memref<1x128xf32, #tpu.memory_space<vmem>>, %arg5: memref<1000x128xf32, #tpu.memory_space<vmem>>) attributes {dimension_semantics = [#tpu.dimension_semantics<arbitrary>], iteration_bounds = array<i64: 10>, scalar_prefetch = 0 : i64, scratch_operands = 0 : i64, tpu.core_type = #tpu.core_type<tc>, window_params = [{transform_indices = @transform_0, window_bounds = array<i64: 1, 1000, 128>}, {transform_indices = @transform_1, window_bounds = array<i64: 1, 1000, 128>}, {pipeline_mode = #tpu.pipeline_mode<synchronous>, transform_indices = @transform_2, window_bounds = array<i64: 128, 128>}, {pipeline_mode = #tpu.pipeline_mode<synchronous>, transform_indices = @transform_3, window_bounds = array<i64: 1, 128>}, {transform_indices = @transform_4, window_bounds = array<i64: 1000, 128>}]} {
    %get3A = arith.constant 0 : index
    %get3A_0 = arith.constant 0 : index
    %get3A_1 = arith.constant 0 : index
    %get3A_2 = vector.load %arg1[%get3A, %get3A_0, %get3A_1] : memref<1x1000x128xf32, #tpu.memory_space<vmem>>, vector<1x1000x128xf32>
    %get3A_3 = vector.shape_cast %get3A_2 : vector<1x1000x128xf32> to vector<1000x128xf32>
    %get3A_4 = arith.constant 0 : index
    %get3A_5 = arith.constant 0 : index
    %get3A_6 = arith.constant 0 : index
    %get3A_7 = vector.load %arg2[%get3A_4, %get3A_5, %get3A_6] : memref<1x1000x128xf32, #tpu.memory_space<vmem>>, vector<1x1000x128xf32>
    %get3A_8 = vector.shape_cast %get3A_7 : vector<1x1000x128xf32> to vector<1000x128xf32>
    %add3A = arith.addf %get3A_3, %get3A_8 : vector<1000x128xf32>
    %get3A_9 = arith.constant 0 : index
    %get3A_10 = arith.constant 0 : index
    %get3A_11 = vector.load %arg3[%get3A_9, %get3A_10] : memref<128x128xf32, #tpu.memory_space<vmem>>, vector<128x128xf32>
    %dot_general3A = arith.constant dense<0.000000e+00> : vector<1000x128xf32>
    %dot_general3A_12 = tpu.matmul %add3A, %get3A_11, %dot_general3A {dimension_numbers = #tpu.dot_dimension_numbers<[1], [0], [0], [1], [0, 0, 1, 1], [], []>, transpose_lhs_hint = false} : vector<1000x128xf32>, vector<128x128xf32>, vector<1000x128xf32> -> vector<1000x128xf32>
    %get3A_13 = arith.constant 0 : index
    %get3A_14 = arith.constant 0 : index
    %get3A_15 = vector.load %arg4[%get3A_13, %get3A_14] : memref<1x128xf32, #tpu.memory_space<vmem>>, vector<1x128xf32>
    %add3A_16 = vector.broadcast %get3A_15 : vector<1x128xf32> to vector<1000x128xf32>
    %add3A_17 = arith.addf %dot_general3A_12, %add3A_16 : vector<1000x128xf32>
    %swap3A = arith.constant 0 : index
    %swap3A_18 = arith.constant 0 : index
    %swap3A_19 = vector.load %arg5[%swap3A, %swap3A_18] : memref<1000x128xf32, #tpu.memory_space<vmem>>, vector<1000x128xf32>
    tpu.vector_store %arg5[%swap3A, %swap3A_18], %add3A_17 {strides = array<i32>} : memref<1000x128xf32, #tpu.memory_space<vmem>>, vector<1000x128xf32>,
    return
  }
  func.func @transform_0(%arg0: i32) -> (i32, i32, i32) {
    %c0_i32 = arith.constant 0 : i32
    %c0_i32_0 = arith.constant 0 : i32
    %c0_i32_1 = arith.constant 0 : i32
    return %c0_i32, %arg0, %c0_i32_0 : i32, i32, i32
  }
  func.func @transform_1(%arg0: i32) -> (i32, i32, i32) {
    %c1_i32 = arith.constant 1 : i32
    %c0_i32 = arith.constant 0 : i32
    %c0_i32_0 = arith.constant 0 : i32
    return %c1_i32, %arg0, %c0_i32 : i32, i32, i32
  }
  func.func @transform_2(%arg0: i32) -> (i32, i32) {
    %c0_i32 = arith.constant 0 : i32
    %c0_i32_0 = arith.constant 0 : i32
    %c0_i32_1 = arith.constant 0 : i32
    return %c0_i32, %c0_i32_0 : i32, i32
  }
  func.func @transform_3(%arg0: i32) -> (i32, i32) {
    %c0_i32 = arith.constant 0 : i32
    %c0_i32_0 = arith.constant 0 : i32
    %c0_i32_1 = arith.constant 0 : i32
    return %c0_i32, %c0_i32_0 : i32, i32
  }
  func.func @transform_4(%arg0: i32) -> (i32, i32) {
    %c0_i32 = arith.constant 0 : i32
    %c0_i32_0 = arith.constant 0 : i32
    return %arg0, %c0_i32 : i32, i32
  }
}

</mosaic_0001>

<sc_bundles>
// kernel: kernel.4.cloned.1.call-start
scs
__scs_entry_jumppad:
0x0: {  	(pc) =	sbr.rel $0x88, $3  }
0x1: {  	(tag) =	ssettag $0x0;
	lr =	simm.s32 $0x1  }
0x2: {  	[smem:$0x3F9D] =	sst lr;
	_ =	strace $0xD0000000  }
0x3: {  	_ = 	snop  }
0x4: {  	_ = 	snop  }
0x5: {  	_ = 	snop  }
0x6: {  	_ = 	snop  }
0x7: {  	_ = 	snop  }
__scs_overlays_trampoline_lowered:
0x8: {  	[smem:$0x3FAC] =	sst s0  }
0x9: {  	[smem:$0x3FAD] =	sst s1  }
0xa: {  	[smem:$0x3FAE] =	sst s2  }
0xb: {  	[smem:$0x3FAF] =	sst s3  }
0xc: {  	[smem:$0x3FB0] =	sst s4  }
0xd: {  	[smem:$0x3FB1] =	sst s5  }
0xe: {  	[smem:$0x3FB2] =	sst s6  }
0xf: {  	[smem:$0x3FB3] =	sst s7  }
0x10: {  	[smem:$0x3FB4] =	sst s8  }
0x11: {  	[smem:$0x3FB5] =	sst s9;
	s0 =	simm.s32 @!p0 $0x0  }
0x12: {  	s1 =	sld [smem:$0x3F9B];
	s0 =	simm.s32 @p0 $0x1  }
0x13: {  	[smem:$0x3FB6] =	sst s0;
	s0 =	simm.s32 @!p1 $0x0  }
0x14: {  	s2 =	sld [smem:$0x3F9A];
	s0 =	simm.s32 @p1 $0x1  }
0x15: {  	[smem:$0x3FB7] =	sst s0;
	s0 =	simm.s32 @!p2 $0x0  }
0x16: {  	s3 =	sld [smem:$0x3FDB];
	s0 =	simm.s32 @p2 $0x1  }
0x17: {  	s4 =	simm.s32 $0x1BF5;
	[smem:$0x3FB9] =	sst s0  }
0x18: {  	s0 =	sld [smem:$0x3F9C];
	_ =	swait.ge [sflag:s4], $0x0  }
0x19: {  	s7 =	sld [smem:$0x3F9D]  }
0x1a: {  	s8 =	sadd.s32 $0xFFFFE003, lr  }
0x1b: {  	s9 =	sadd.s32 $0xFFFFFEF7, lr;
	s5 =	simm.s32 $0xFFFFFFFF;
	p2 =	slt.u32 s8, $0xFFFFF086  }
0x1c: {  	p1 =	slt.u32 s9, $0xF7A;
	s5 =	simm.s32 @!p2 $0x0  }
0x1d: {  	s5 =	simm.s32 @p1 $0x1;
	p0 =	seq.s32 s7, s2  }
0x1e: {  	s7 =	smul.u32 @!p0 $0xF7A, s2;
	p2 =	seq.s32 @!p0 s5, $0x0  }
0x1f: {  	s9 =	smul.u32 $0xF7A, s1;
	s8 =	simm.s32 @!p0 $0x1BF5;
	p2 =	por !p2, p0  }
0x20: {  	[sflag:s8] =	ssyncset.s32 @!p0 $0xFFFFF086;
	s6 =	sadd.s32 @!p0 s3, s7;
	s7 =	simm.s32 @!p0 $0x108  }
0x21: {  	s3 =	sadd.s32 s3, s9;
	s6 =	sadd.s32 @!p0 $0x88, s6;
	s7 =	simm.s32 @p2 $0x1082  }
0x22: {  	[simem:s7], [sflag:s8] =	dma.local @!p0 [hbm:s6], $0xF7A  }
0x23: {  	s9 =	sor.u32 $0xD0000000, s2;
	s6 =	simm.s32 $0x108;
	_ =	swait.ge @!p0 [sflag:s8], $0x0  }
0x24: {  	s3 =	sadd.s32 $0x88, s3;
	s6 =	simm.s32 @!p1 $0x1082;
	[sflag:s4] =	ssyncset.s32 $0xFFFFF086  }
0x25: {  	[simem:s6], [sflag:s4] =	dma.local [hbm:s3], $0xF7A  }
0x26: {  	[smem:$0x3F9D] =	sst s1;
	(tag) =	ssettag s2;
	_ =	strace s9  }
0x27: {  	s1 =	sld [smem:$0x3FAD]  }
0x28: {  	s2 =	sld [smem:$0x3FAE]  }
0x29: {  	s4 =	sld [smem:$0x3FB0]  }
0x2a: {  	p0 =	seq.s32 s5, $0x0;
	s5 =	sld [smem:$0x3FB1]  }
0x2b: {  	s6 =	sld [smem:$0x3FB2]  }
0x2c: {  	s7 =	sld [smem:$0x3FB3]  }
0x2d: {  	s3 =	simm.s32 $0x108;
	s8 =	sld [smem:$0x3FB4]  }
0x2e: {  	s3 =	simm.s32 @!p0 $0x1082;
	s9 =	sld [smem:$0x3FB5]  }
0x2f: {  	lr =	sadd.s32 s0, s3;
	s0 =	sld [smem:$0x3FAC]  }
0x30: {  	s3 =	sld [smem:$0x3FAF]  }
0x31: {  	[smem:$0x3FB8] =	sst s10  }
0x32: {  	s10 =	sld [smem:$0x3FB6];
	_ =	sdelay $0x3  }
0x33: {  	p0 =	seq.s32 s10, $0x1;
	s10 =	sld [smem:$0x3FB8];
	_ =	sdelay $0x3  }
0x34: {  	[smem:$0x3FB8] =	sst s10  }
0x35: {  	s10 =	sld [smem:$0x3FB7];
	_ =	sdelay $0x3  }
0x36: {  	p1 =	seq.s32 s10, $0x1;
	s10 =	sld [smem:$0x3FB8];
	_ =	sdelay $0x3  }
0x37: {  	[smem:$0x3FB8] =	sst s10  }
0x38: {  	s10 =	sld [smem:$0x3FB9]  }
0x39: {  	_ = 	snop;
	(pc) =	sbr.ind lr, $3  }
0x3a: {  	_ = 	snop  }
0x3b: {  	_ = 	snop  }
0x3c: {  	p2 =	seq.s32 s10, $0x1;
	s10 =	sld [smem:$0x3FB8]  }
0x3d: {  	_ =	shalt  }
0x3e: {  	_ =	shalt  }
0x3f: {  	_ =	shalt  }
0x40: {  	_ =	shalt  }
0x41: {  	_ =	shalt  }
0x42: {  	_ =	shalt  }
0x43: {  	_ =	shalt  }
0x44: {  	_ =	shalt  }
0x45: {  	_ =	shalt  }
0x46: {  	_ =	shalt  }
0x47: {  	_ =	shalt  }
0x48: {  	_ =	shalt  }
0x49: {  	_ =	shalt  }
0x4a: {  	_ =	shalt  }
0x4b: {  	_ =	shalt  }
0x4c: {  	_ =	shalt  }
0x4d: {  	_ =	shalt  }
0x4e: {  	_ =	shalt  }
0x4f: {  	_ =	shalt  }
0x50: {  	_ =	shalt  }
0x51: {  	_ =	shalt  }
0x52: {  	_ =	shalt  }
0x53: {  	_ =	shalt  }
0x54: {  	_ =	shalt  }
0x55: {  	_ =	shalt  }
0x56: {  	_ =	shalt  }
0x57: {  	_ =	shalt  }
0x58: {  	_ =	shalt  }
0x59: {  	_ =	shalt  }
0x5a: {  	_ =	shalt  }
0x5b: {  	_ =	shalt  }
0x5c: {  	_ =	shalt  }
0x5d: {  	_ =	shalt  }
0x5e: {  	_ =	shalt  }
0x5f: {  	_ =	shalt  }
0x60: {  	_ =	shalt  }
0x61: {  	_ =	shalt  }
0x62: {  	_ =	shalt  }
0x63: {  	_ =	shalt  }
0x64: {  	_ =	shalt  }
0x65: {  	_ =	shalt  }
0x66: {  	_ =	shalt  }
0x67: {  	_ =	shalt  }
0x68: {  	_ =	shalt  }
0x69: {  	_ =	shalt  }
0x6a: {  	_ =	shalt  }
0x6b: {  	_ =	shalt  }
0x6c: {  	_ =	shalt  }
0x6d: {  	_ =	shalt  }
0x6e: {  	_ =	shalt  }
0x6f: {  	_ =	shalt  }
0x70: {  	_ =	shalt  }
0x71: {  	_ =	shalt  }
0x72: {  	_ =	shalt  }
0x73: {  	_ =	shalt  }
0x74: {  	_ =	shalt  }
0x75: {  	_ =	shalt  }
0x76: {  	_ =	shalt  }
0x77: {  	_ =	shalt  }
0x78: {  	_ =	shalt  }
0x79: {  	_ =	shalt  }
0x7a: {  	_ =	shalt  }
0x7b: {  	_ =	shalt  }
0x7c: {  	_ =	shalt  }
0x7d: {  	_ =	shalt  }
0x7e: {  	_ =	shalt  }
0x7f: {  	_ =	shalt  }
0x80: {  	_ =	shalt  }
0x81: {  	_ =	shalt  }
0x82: {  	_ =	shalt  }
0x83: {  	_ =	shalt  }
0x84: {  	_ =	shalt  }
0x85: {  	_ =	shalt  }
0x86: {  	_ =	shalt  }
0x87: {  	_ =	shalt  }
.Lfunc_end0:
.L_simem_size_0:
called_computation_lowered:
.L_overlay_start_0:
0x88: {  	s2 =	sld [smem:$0x3FD9]  }
0x89: {  	s3 =	sld [smem:$0x3FFE];
	_ =	sdelay $0x1  }
0x8a: {  	s1 =	srdreg.scid  }
0x8b: {  	s0 =	sand.u32 $0x1, s1  }
0x8c: {  	s17 =	sshll.u32 s0, $0xA;
	s2 =	sadd.s32 s3, s2  }
0x8d: {  	s2 =	sadd.s32 s2, s17  }
0x8e: {  	[smem:$0x3FC4] =	sst s2  }
0x8f: {  	_ = 	snop  }
0x90: {  	s2 =	sld [smem:$0x3FC9]  }
0x91: {  	s18 =	sld [smem:$0x3FD0];
	(tm) =	ssettm $0x1  }
0x92: {  	s4 =	sld [smem:$0x3FFB];
	_ =	sdelay $0x3  }
0x93: {  	_ =	strace s4  }
0x94: {  	s4 =	sld [smem:$0x3FFC];
	_ =	sdelay $0x3  }
0x95: {  	_ =	strace s4  }
0x96: {  	s4 =	sld [smem:$0x3FFD];
	_ =	sdelay $0x3  }
0x97: {  	_ =	strace s4  }
0x98: {  	_ =	strace $0x8FFFFFFF  }
0x99: {  	s19 =	sld [smem:$0x3FDB];
	_ =	sdelay $0x1  }
0x9a: {  	s5 =	simm.s32 $_scs_section_size  }
0x9b: {  	s6 =	simm.s32 $_size__tile_overlayer_lowered;
	s7 =	simm.s32 $_tile_overlayer_lowered  }
0x9c: {  	s22 =	simm.s32 $0x1BFF;
	s21 =	sshll.u32 s7, $0x1;
	s4 =	sadd.s32 s5, s19  }
0x9d: {  	s8 =	simm.s32 $0x0;
	s20 =	sshll.u32 s6, $0x1;
	s6 =	sadd.s32 s21, s4  }
0x9e: {  	[timem:s8], [sflag:s22] =	dma.local [hbm:s6], s20  }
0x9f: {  	_ =	swait.ge [sflag:s22], s20  }
0xa0: {  	s5 =	ssub.s32 $0x0, s20;
	[sflag:s22] =	ssyncset.done $0x0  }
0xa1: {  	[sflag:s22] =	ssyncadd.s32 s5;
	_ =	sdelay $0x1  }
0xa2: {  	s23 =	simm.s32 $0x1B8B  }
0xa3: {  	_ =	swait.ge [sflag:s23], $0x1  }
0xa4: {  	[sflag:s23] =	ssyncset.done $0x0  }
0xa5: {  	s25 =	simm.s32 $0x1B8E;
	s24 =	sld [smem:$0x3FFE];
	[sflag:s23] =	ssyncadd.s32 $0xFFFFFFFF  }
0xa6: {  	s26 =	simm.s32 $execute0_lowered;
	[smem:$0x3FD2] =	sst s25  }
0xa7: {  	s6 =	sshll.u32 s26, $0x1;
	_ =	strace $0x80000046;
	[dreg:$0x1] =	wrdreg $0xFFFFFFFF  }
0xa8: {  	s28 =	simm.s32 $_size_execute0_lowered;
	s4 =	sadd.s32 s4, s6;
	[dreg:$0x0] =	wrdreg $0x0  }
0xa9: {  	s6 =	sshll.u32 s28, $0x1;
	[dreg:$0x2] =	wrdreg s4  }
0xaa: {  	[dreg:$0x3] =	wrdreg s6  }
0xab: {  	[dreg:$0x4] =	wrdreg $0xC0  }
0xac: {  	_ =	task [dreg:s8], $0x5FFFF  }
0xad: {  	[dreg:$0x1] =	wrdreg $0xFFFFFFFF  }
0xae: {  	[dreg:$0x0] =	wrdreg $0x60  }
0xaf: {  	[dreg:$0x2] =	wrdreg s2  }
0xb0: {  	[dreg:$0x3] =	wrdreg s18  }
0xb1: {  	[dreg:$0x4] =	wrdreg s24  }
0xb2: {  	[dreg:$0x5] =	wrdreg $0x90000  }
0xb3: {  	[dreg:$0x6] =	wrdreg $0x9  }
0xb4: {  	_ =	task.clear_ibuf [dreg:s8], $0x7FFFF;
	_ =	strace $0x90000046  }
0xb5: {  	s29 =	simm.s32 $0x9;
	_ =	strace $0x80000048  }
0xb6: {  	_ =	swait.ge [sflag:s29], $0x1  }
0xb7: {  	[sflag:s29] =	ssyncadd.s32 $0xFFFFFFFF  }
0xb8: {  	_ =	strace $0x90000048  }
0xb9: {  	_ =	sfence  }
0xba: {  	s30 =	sld [smem:$0x0];
	_ =	sdelay $0x2  }
0xbb: {  	s31 =	sshll.u32 s1, $0xD;
	s1 =	sshrl.u32 s1, $0x2  }
0xbc: {  	s3 =	sand.u32 $0x4000, s31;
	s1 =	sadd.s32 s1, s30  }
0xbd: {  	s0 =	sor.u32 s3, s0;
	s1 =	sshll.u32 s1, $0x11  }
0xbe: {  	s0 =	sor.u32 s1, s0  }
0xbf: {  	s0 =	sadd.s32 $0x8F2B, s0  }
0xc0: {  	[sflag:s0] =	ssyncadd.remote.s32 $0x1  }
0xc1: {  	_ =	sfence.sel $0xFFFF  }
0xc2: {  	[dreg:$0x0] =	wrdreg $0xFFFFFFFF;
	(pc) =	sbr.abs _section_cstart, $3  }
0xc3: {  	[dreg:$0x1] =	wrdreg $0xFFFFFFFF  }
0xc4: {  	_ =	task.clear_ibuf [dreg:s8], $0x2FFFF;
	_ =	strace $0x9FFFFFFF  }
0xc5: {  	(tm) =	ssettm $0x7FFFFFFF  }
tec
execute0_lowered:
.L_overlay_start_1:
0x0: {  	(tag) =	ssettag $0x1  }
0x1: {  	s1 =	rddreg [dreg:$0x0]  }
0x2: {  	s2 =	rddreg [dreg:$0x1]  }
0x3: {  	s0 =	srdreg.scid;
	s6 =	rddreg [dreg:$0x2]  }
0x4: {  	s12 =	stileid.u32;
	s3 =	rddreg [dreg:$0x3];
	s4 =	simm.s32 $0x0  }
0x5: {  	s13 =	simm.s32 $0x880;
	s15 =	simm.s32 $0x180;
	s17 =	simm.s32 $0x900  }
0x6: {  	s18 =	simm.s32 $0x200;
	s20 =	simm.s32 $0x980;
	s21 =	simm.s32 $0x280  }
0x7: {  	s22 =	simm.s32 $0xA00;
	s28 =	simm.s32 $0x580;
	s29 =	simm.s32 $0xD00  }
0x8: {  	s30 =	simm.s32 $0x600;
	s7 =	smul.u32 $0x13C00, s12;
	[smem:$0x7FF] =	sst s4  }
0x9: {  	s23 =	smul.u32 $0x278, s12;
	_ =	strace $0x80000047;
	[dreg:$0x8] =	wrdreg s13  }
0xa: {  	s31 =	simm.s32 $0xD80;
	s8 =	smul.u32 $0x5000, s12;
	[dreg:$0x9] =	wrdreg s15  }
0xb: {  	s0 =	sand.u32 $0x1, s0;
	s25 =	smul.u32 $0x4F000, s12;
	[dreg:$0xa] =	wrdreg s17  }
0xc: {  	s5 =	smul.u32 $0x13C000, s0;
	s24 =	ssub.s32 $0x2, s0;
	[dreg:$0xb] =	wrdreg s18  }
0xd: {  	s11 =	smul.u32 $0x2800, s0;
	p0 =	seq.s32 s0, $0x1;
	[dreg:$0xc] =	wrdreg s20  }
0xe: {  	s13 =	simm.s32 $0x1000;
	[dreg:$0xd] =	wrdreg s21;
	s15 =	simm.s32 $0x800  }
0xf: {  	[dreg:$0xe] =	wrdreg s22;
	s17 =	simm.s32 $0x5000;
	s18 =	simm.s32 $0x1  }
0x10: {  	s20 =	simm.s32 $0x400;
	s21 =	simm.s32 $0xB80;
	s22 =	simm.s32 $0x480  }
0x11: {  	s9 =	sshrl.u32 s24, $0x1;
	s5 =	sadd.s32 s7, s5;
	s7 =	smin.u32 s23, $0x2498  }
0x12: {  	s8 =	sadd.s32 s11, s8;
	s11 =	simm.s32 $0x100;
	s23 =	simm.s32 $0x300  }
0x13: {  	s5 =	sshrl.u32 s5, $0x3;
	s10 =	sshll.u32 s7, $0x7;
	s7 =	sshll.u32 s7, $0x4  }
0x14: {  	s26 =	sshrl.u32 s8, $0x3;
	s8 =	sadd.s32 $0x50000, s8;
	[dreg:$0x7] =	wrdreg s11  }
0x15: {  	[dreg:$0xf] =	wrdreg s23;
	s5 =	sadd.s32 s5, s6;
	s7 =	sadd.s32 s1, s7  }
0x16: {  	s6 =	ssub.s32 s24, s9;
	s24 =	simm.s32 $0xA80;
	[dreg:$0x13] =	wrdreg s7  }
0x17: {  	s9 =	sshrl.u32 s25, $0x2;
	s25 =	simm.s32 $0x380;
	[dreg:$0x10] =	wrdreg s24  }
0x18: {  	s8 =	sshrl.u32 s8, $0x3;
	s7 =	sadd.s32 s26, s2;
	[dreg:$0x11] =	wrdreg s25  }
0x19: {  	s23 =	simm.s32 $0xC00;
	s2 =	sadd.s32 s8, s2;
	[dreg:$0x5] =	wrdreg s7  }
0x1a: {  	s0 =	sadd.s32 s10, s3;
	s9 =	sadd.s32 s9, s3;
	[dreg:$0x6] =	wrdreg s2  }
0x1b: {  	s5 =	sadd.s32 $0xC00, s5;
	s19 =	smax.u32 s6, $0x1;
	[dreg:$0x14] =	wrdreg s9  }
0x1c: {  	s26 =	simm.s32 $0xB00;
	s24 =	simm.s32 $0x500;
	[dreg:$0x19] =	wrdreg s5  }
0x1d: {  	s0 =	sshrl.u32 s0, $0x3;
	s8 =	simm.s32 $0xE80;
	[dreg:$0x1a] =	wrdreg s19  }
0x1e: {  	s25 =	simm.s32 $0xF80;
	s6 =	simm.s32 $0x0;
	[dreg:$0x12] =	wrdreg s26  }
0x1f: {  	s10 =	sadd.s32 $0x4000, s9;
	s12 =	sadd.s32 $0x8000, s9;
	[dreg:$0x1b] =	wrdreg s0  }
0x20: {  	s14 =	sadd.s32 $0xC000, s9;
	s16 =	sadd.s32 $0x10000, s9;
	[dreg:$0x15] =	wrdreg s10  }
0x21: {  	s19 =	simm.s32 $0x2;
	s26 =	simm.s32 $0xC80;
	[dreg:$0x16] =	wrdreg s12  }
0x22: {  	s2 =	simm.s32 $0x680;
	s5 =	simm.s32 $0xE00;
	[dreg:$0x17] =	wrdreg s14  }
0x23: {  	s7 =	simm.s32 $0x700;
	s9 =	simm.s32 $0x780;
	[dreg:$0x18] =	wrdreg s16  }
0x24: {  	v0 =	vimm.f32 $0.0e+00;
	s14 =	simm.s32 $0x3;
	s16 =	simm.s32 $0x80;
	s10 =	simm.s32 $0xF00  }
.LBB2_1:
.Ltmp0:
0x25: {  	(pc) =	sbr.rel @!p0 .LBB2_2-.Ltmp0, $2  }
0x26: {  	_ =	sdelay $0x2  }
0x27: {  	[dreg:$0x1c] =	wrdreg s6  }
0x28: {  	s6 =	sand.u32 $0xFE00, s4  }
0x29: {  	s12 =	sand.u32 $0x70, s4;
	s6 =	sshrl.u32 s6, $0x2  }
0x2a: {  	s11 =	simm.s32 $0x40;
	s6 =	sor.u32 s12, s6;
	s12 =	simm.s32 $0x0  }
.LBB2_4:
0x2b: {  	p1 =	sne.s32 s11, $0xFFC0  }
0x2c: {  	[tilespmem:s6+$0x1000] =	vst v0;
	s12 =	sadd.s32 $0x10, s12;
	s6 =	smov.u32 s11;
	s11 =	sadd.s32 $0x40, s11  }
.Ltmp1:
0x2d: {  	(pc) =	sbr.rel @p1 .LBB2_4-.Ltmp1, $4  }
0x2e: {  	_ = 	snop  }
0x2f: {  	s6 =	sand.u32 $0xFE00, s6  }
0x30: {  	s0 =	sand.u32 $0x70, s12;
	s6 =	sshrl.u32 s6, $0x2  }
0x31: {  	s6 =	sor.u32 s0, s6  }
0x32: {  	[tilespmem:s6+$0x1000] =	vst v0;
	s0 =	rddreg [dreg:$0x14]  }
0x33: {  	[spmem:s0] =	stream.linear.scatter [tilespmem:s13], [sflag:$0x3], $0x4000, $0x38;
	[tilespmem:$0x1CC00] =	vst v63  }
0x34: {  	_ =	swait.ge [sflag:s14], $0x4000  }
0x35: {  	[sflag:s14] =	ssyncset.done $0x0  }
0x36: {  	s12 =	rddreg [dreg:$0x15];
	[sflag:s14] =	ssyncadd.s32 $0xFFFFC000  }
0x37: {  	[spmem:s12] =	stream.linear.scatter [tilespmem:s13], [sflag:$0x3], $0x4000, $0x38;
	[tilespmem:$0x1CC00] =	vst v63  }
0x38: {  	_ =	swait.ge [sflag:s14], $0x4000  }
0x39: {  	[sflag:s14] =	ssyncset.done $0x0  }
0x3a: {  	s6 =	rddreg [dreg:$0x16];
	[sflag:s14] =	ssyncadd.s32 $0xFFFFC000  }
0x3b: {  	[spmem:s6] =	stream.linear.scatter [tilespmem:s13], [sflag:$0x3], $0x4000, $0x38;
	[tilespmem:$0x1CC00] =	vst v63  }
0x3c: {  	_ =	swait.ge [sflag:s14], $0x4000  }
0x3d: {  	[sflag:s14] =	ssyncset.done $0x0  }
0x3e: {  	s11 =	rddreg [dreg:$0x17];
	[sflag:s14] =	ssyncadd.s32 $0xFFFFC000  }
0x3f: {  	[spmem:s11] =	stream.linear.scatter [tilespmem:s13], [sflag:$0x3], $0x4000, $0x38;
	[tilespmem:$0x1CC00] =	vst v63  }
0x40: {  	_ =	swait.ge [sflag:s14], $0x4000  }
0x41: {  	[sflag:s14] =	ssyncset.done $0x0  }
.Ltmp2:
0x42: {  	s12 =	rddreg [dreg:$0x18];
	[sflag:s14] =	ssyncadd.s32 $0xFFFFC000;
	(pc) =	sbr.rel .LBB2_6-.Ltmp2, $4  }
0x43: {  	[spmem:s12] =	stream.linear.scatter [tilespmem:s13], [sflag:$0x3], $0x3C00, $0x38;
	[tilespmem:$0x1CC00] =	vst v63  }
0x44: {  	_ =	swait.ge [sflag:s14], $0x3C00  }
0x45: {  	[sflag:s14] =	ssyncset.done $0x0  }
0x46: {  	[sflag:s14] =	ssyncadd.s32 $0xFFFFC400  }
.LBB2_2:
0x47: {  	s0 =	stileid.u32  }
0x48: {  	s12 =	rddreg [dreg:$0x13];
	s6 =	sshll.u32 s0, $0x6  }
0x49: {  	s11 =	rddreg [dreg:$0x1b];
	s6 =	sor.u32 $0x1C03, s6  }
0x4a: {  	[spmem:s11], [sflag:s6] =	dma.local [hbm:s12], $0x2780  }
0x4b: {  	_ =	swait.ge [sflag:s14], $0x2780  }
0x4c: {  	[sflag:s14] =	ssyncset.done $0x0  }
0x4d: {  	[sflag:s14] =	ssyncadd.s32 $0xFFFFD880  }
.LBB2_6:
0x4e: {  	[bflag:$0x0] =	sbarrier.arrive $0xFFFF  }
0x4f: {  	s0 =	rddreg [dreg:$0x5]  }
0x50: {  	s0 =	sadd.s32 $0x0, s0  }
0x51: {  	[tilespmem:s4], [sflag:$0x3] =	stream.linear.gather [hbm4b:s0+s4], $0x800, $0x38;
	[tilespmem:$0x1CC00] =	vst v63  }
0x52: {  	_ =	swait.ge [sflag:s14], $0x800  }
0x53: {  	s12 =	rddreg [dreg:$0x6];
	[sflag:s14] =	ssyncset.done $0x0  }
0x54: {  	[sflag:s14] =	ssyncadd.s32 $0xFFFFF800;
	s0 =	sadd.s32 $0x0, s12  }
0x55: {  	[tilespmem:s15], [sflag:$0x3] =	stream.linear.gather [hbm4b:s0+s4], $0x800, $0x38;
	[tilespmem:$0x1CC00] =	vst v63  }
0x56: {  	_ =	swait.ge [sflag:s14], $0x800  }
0x57: {  	[sflag:s14] =	ssyncset.done $0x0  }
0x58: {  	[sflag:s14] =	ssyncadd.s32 $0xFFFFF800  }
0x59: {  	[tilespmem:s13], [sflag:$0x1] =	stream.indirect.gather [hbm4b:s1+s16], $0x80, s4, s16, $0xb8;
	[tilespmem:$0x1CC00] =	vst v63  }
0x5a: {  	_ = 	snop  }
0x5b: {  	[tilespmem:s17], [sflag:$0x2] =	stream.indirect.gather [hbm4b:s1+s16], $0x80, s16, s16, $0xb8;
	[tilespmem:$0x1CC00] =	vst v63  }
0x5c: {  	_ =	swait.ge [sflag:s18], $0x4000  }
0x5d: {  	[sflag:s18] =	ssyncset.done $0x0  }
0x5e: {  	[sflag:s18] =	ssyncadd.s32 $0xFFFFC000  }
0x5f: {  	[spmem:s3] =	stream.indirect.scatter.add.f32 [tilespmem:s13], [sflag:$0x3], $0x80, s15, s16, $0xb8;
	[tilespmem:$0x1CC00] =	vst v63  }
0x60: {  	_ =	swait.ge [sflag:s14], $0x4000  }
0x61: {  	[sflag:s14] =	ssyncset.done $0x0  }
0x62: {  	s6 =	rddreg [dreg:$0x7];
	[sflag:s14] =	ssyncadd.s32 $0xFFFFC000  }
0x63: {  	[tilespmem:s13], [sflag:$0x1] =	stream.indirect.gather [hbm4b:s1+s16], $0x80, s6, s16, $0xb8;
	[tilespmem:$0x1CC00] =	vst v63  }
0x64: {  	_ =	swait.ge [sflag:s19], $0x4000  }
0x65: {  	[sflag:s19] =	ssyncset.done $0x0  }
0x66: {  	s11 =	rddreg [dreg:$0x8];
	[sflag:s19] =	ssyncadd.s32 $0xFFFFC000  }
0x67: {  	[spmem:s3] =	stream.indirect.scatter.add.f32 [tilespmem:s17], [sflag:$0x3], $0x80, s11, s16, $0xb8;
	[tilespmem:$0x1CC00] =	vst v63  }
0x68: {  	_ =	swait.ge [sflag:s14], $0x4000  }
0x69: {  	[sflag:s14] =	ssyncset.done $0x0  }
0x6a: {  	s12 =	rddreg [dreg:$0x9];
	[sflag:s14] =	ssyncadd.s32 $0xFFFFC000  }
0x6b: {  	[tilespmem:s17], [sflag:$0x2] =	stream.indirect.gather [hbm4b:s1+s16], $0x80, s12, s16, $0xb8;
	[tilespmem:$0x1CC00] =	vst v63  }
0x6c: {  	_ =	swait.ge [sflag:s18], $0x4000  }
0x6d: {  	[sflag:s18] =	ssyncset.done $0x0  }
0x6e: {  	s6 =	rddreg [dreg:$0xa];
	[sflag:s18] =	ssyncadd.s32 $0xFFFFC000  }
0x6f: {  	[spmem:s3] =	stream.indirect.scatter.add.f32 [tilespmem:s13], [sflag:$0x3], $0x80, s6, s16, $0xb8;
	[tilespmem:$0x1CC00] =	vst v63  }
0x70: {  	_ =	swait.ge [sflag:s14], $0x4000  }
0x71: {  	[sflag:s14] =	ssyncset.done $0x0  }
0x72: {  	s11 =	rddreg [dreg:$0xb];
	[sflag:s14] =	ssyncadd.s32 $0xFFFFC000  }
0x73: {  	[tilespmem:s13], [sflag:$0x1] =	stream.indirect.gather [hbm4b:s1+s16], $0x80, s11, s16, $0xb8;
	[tilespmem:$0x1CC00] =	vst v63  }
0x74: {  	_ =	swait.ge [sflag:s19], $0x4000  }
0x75: {  	[sflag:s19] =	ssyncset.done $0x0  }
0x76: {  	s12 =	rddreg [dreg:$0xc];
	[sflag:s19] =	ssyncadd.s32 $0xFFFFC000  }
0x77: {  	[spmem:s3] =	stream.indirect.scatter.add.f32 [tilespmem:s17], [sflag:$0x3], $0x80, s12, s16, $0xb8;
	[tilespmem:$0x1CC00] =	vst v63  }
0x78: {  	_ =	swait.ge [sflag:s14], $0x4000  }
0x79: {  	[sflag:s14] =	ssyncset.done $0x0  }
0x7a: {  	s6 =	rddreg [dreg:$0xd];
	[sflag:s14] =	ssyncadd.s32 $0xFFFFC000  }
0x7b: {  	[tilespmem:s17], [sflag:$0x2] =	stream.indirect.gather [hbm4b:s1+s16], $0x80, s6, s16, $0xb8;
	[tilespmem:$0x1CC00] =	vst v63  }
0x7c: {  	_ =	swait.ge [sflag:s18], $0x4000  }
0x7d: {  	[sflag:s18] =	ssyncset.done $0x0  }
0x7e: {  	s11 =	rddreg [dreg:$0xe];
	[sflag:s18] =	ssyncadd.s32 $0xFFFFC000  }
0x7f: {  	[spmem:s3] =	stream.indirect.scatter.add.f32 [tilespmem:s13], [sflag:$0x3], $0x80, s11, s16, $0xb8;
	[tilespmem:$0x1CC00] =	vst v63  }
0x80: {  	_ =	swait.ge [sflag:s14], $0x4000  }
0x81: {  	[sflag:s14] =	ssyncset.done $0x0  }
0x82: {  	s12 =	rddreg [dreg:$0xf];
	[sflag:s14] =	ssyncadd.s32 $0xFFFFC000  }
0x83: {  	[tilespmem:s13], [sflag:$0x1] =	stream.indirect.gather [hbm4b:s1+s16], $0x80, s12, s16, $0xb8;
	[tilespmem:$0x1CC00] =	vst v63  }
0x84: {  	_ =	swait.ge [sflag:s19], $0x4000  }
0x85: {  	[sflag:s19] =	ssyncset.done $0x0  }
0x86: {  	s6 =	rddreg [dreg:$0x10];
	[sflag:s19] =	ssyncadd.s32 $0xFFFFC000  }
0x87: {  	[spmem:s3] =	stream.indirect.scatter.add.f32 [tilespmem:s17], [sflag:$0x3], $0x80, s6, s16, $0xb8;
	[tilespmem:$0x1CC00] =	vst v63  }
0x88: {  	_ =	swait.ge [sflag:s14], $0x4000  }
0x89: {  	[sflag:s14] =	ssyncset.done $0x0  }
0x8a: {  	s11 =	rddreg [dreg:$0x11];
	[sflag:s14] =	ssyncadd.s32 $0xFFFFC000  }
0x8b: {  	[tilespmem:s17], [sflag:$0x2] =	stream.indirect.gather [hbm4b:s1+s16], $0x80, s11, s16, $0xb8;
	[tilespmem:$0x1CC00] =	vst v63  }
0x8c: {  	_ =	swait.ge [sflag:s18], $0x4000  }
0x8d: {  	[sflag:s18] =	ssyncset.done $0x0  }
0x8e: {  	s12 =	rddreg [dreg:$0x12];
	[sflag:s18] =	ssyncadd.s32 $0xFFFFC000  }
0x8f: {  	[spmem:s3] =	stream.indirect.scatter.add.f32 [tilespmem:s13], [sflag:$0x3], $0x80, s12, s16, $0xb8;
	[tilespmem:$0x1CC00] =	vst v63  }
0x90: {  	_ =	swait.ge [sflag:s14], $0x4000  }
0x91: {  	[sflag:s14] =	ssyncset.done $0x0  }
0x92: {  	[sflag:s14] =	ssyncadd.s32 $0xFFFFC000  }
0x93: {  	[tilespmem:s13], [sflag:$0x1] =	stream.indirect.gather [hbm4b:s1+s16], $0x80, s20, s16, $0xb8;
	[tilespmem:$0x1CC00] =	vst v63  }
0x94: {  	_ =	swait.ge [sflag:s19], $0x4000  }
0x95: {  	[sflag:s19] =	ssyncset.done $0x0  }
0x96: {  	[sflag:s19] =	ssyncadd.s32 $0xFFFFC000  }
0x97: {  	[spmem:s3] =	stream.indirect.scatter.add.f32 [tilespmem:s17], [sflag:$0x3], $0x80, s21, s16, $0xb8;
	[tilespmem:$0x1CC00] =	vst v63  }
0x98: {  	_ =	swait.ge [sflag:s14], $0x4000  }
0x99: {  	[sflag:s14] =	ssyncset.done $0x0  }
0x9a: {  	[sflag:s14] =	ssyncadd.s32 $0xFFFFC000  }
0x9b: {  	[tilespmem:s17], [sflag:$0x2] =	stream.indirect.gather [hbm4b:s1+s16], $0x80, s22, s16, $0xb8;
	[tilespmem:$0x1CC00] =	vst v63  }
0x9c: {  	_ =	swait.ge [sflag:s18], $0x4000  }
0x9d: {  	[sflag:s18] =	ssyncset.done $0x0  }
0x9e: {  	[sflag:s18] =	ssyncadd.s32 $0xFFFFC000  }
0x9f: {  	[spmem:s3] =	stream.indirect.scatter.add.f32 [tilespmem:s13], [sflag:$0x3], $0x80, s23, s16, $0xb8;
	[tilespmem:$0x1CC00] =	vst v63  }
0xa0: {  	_ =	swait.ge [sflag:s14], $0x4000  }
0xa1: {  	[sflag:s14] =	ssyncset.done $0x0  }
0xa2: {  	[sflag:s14] =	ssyncadd.s32 $0xFFFFC000  }
0xa3: {  	[tilespmem:s13], [sflag:$0x1] =	stream.indirect.gather [hbm4b:s1+s16], $0x80, s24, s16, $0xb8;
	[tilespmem:$0x1CC00] =	vst v63  }
0xa4: {  	_ =	swait.ge [sflag:s19], $0x4000  }
0xa5: {  	[sflag:s19] =	ssyncset.done $0x0  }
0xa6: {  	[sflag:s19] =	ssyncadd.s32 $0xFFFFC000  }
0xa7: {  	[spmem:s3] =	stream.indirect.scatter.add.f32 [tilespmem:s17], [sflag:$0x3], $0x80, s26, s16, $0xb8;
	[tilespmem:$0x1CC00] =	vst v63  }
0xa8: {  	_ =	swait.ge [sflag:s14], $0x4000  }
0xa9: {  	[sflag:s14] =	ssyncset.done $0x0  }
0xaa: {  	[sflag:s14] =	ssyncadd.s32 $0xFFFFC000  }
0xab: {  	[tilespmem:s17], [sflag:$0x2] =	stream.indirect.gather [hbm4b:s1+s16], $0x80, s28, s16, $0xb8;
	[tilespmem:$0x1CC00] =	vst v63  }
0xac: {  	_ =	swait.ge [sflag:s18], $0x4000  }
0xad: {  	[sflag:s18] =	ssyncset.done $0x0  }
0xae: {  	[sflag:s18] =	ssyncadd.s32 $0xFFFFC000  }
0xaf: {  	[spmem:s3] =	stream.indirect.scatter.add.f32 [tilespmem:s13], [sflag:$0x3], $0x80, s29, s16, $0xb8;
	[tilespmem:$0x1CC00] =	vst v63  }
0xb0: {  	_ =	swait.ge [sflag:s14], $0x4000  }
0xb1: {  	[sflag:s14] =	ssyncset.done $0x0  }
0xb2: {  	[sflag:s14] =	ssyncadd.s32 $0xFFFFC000  }
0xb3: {  	[tilespmem:s13], [sflag:$0x1] =	stream.indirect.gather [hbm4b:s1+s16], $0x80, s30, s16, $0xb8;
	[tilespmem:$0x1CC00] =	vst v63  }
0xb4: {  	_ =	swait.ge [sflag:s19], $0x4000  }
0xb5: {  	[sflag:s19] =	ssyncset.done $0x0  }
0xb6: {  	[sflag:s19] =	ssyncadd.s32 $0xFFFFC000  }
0xb7: {  	[spmem:s3] =	stream.indirect.scatter.add.f32 [tilespmem:s17], [sflag:$0x3], $0x80, s31, s16, $0xb8;
	[tilespmem:$0x1CC00] =	vst v63  }
0xb8: {  	_ =	swait.ge [sflag:s14], $0x4000  }
0xb9: {  	[sflag:s14] =	ssyncset.done $0x0  }
0xba: {  	[sflag:s14] =	ssyncadd.s32 $0xFFFFC000  }
0xbb: {  	[tilespmem:s17], [sflag:$0x2] =	stream.indirect.gather [hbm4b:s1+s16], $0x80, s2, s16, $0xb8;
	[tilespmem:$0x1CC00] =	vst v63  }
0xbc: {  	_ =	swait.ge [sflag:s18], $0x4000  }
0xbd: {  	[sflag:s18] =	ssyncset.done $0x0  }
0xbe: {  	[sflag:s18] =	ssyncadd.s32 $0xFFFFC000  }
0xbf: {  	[spmem:s3] =	stream.indirect.scatter.add.f32 [tilespmem:s13], [sflag:$0x3], $0x80, s5, s16, $0xb8;
	[tilespmem:$0x1CC00] =	vst v63  }
0xc0: {  	_ =	swait.ge [sflag:s14], $0x4000  }
0xc1: {  	[sflag:s14] =	ssyncset.done $0x0  }
0xc2: {  	[sflag:s14] =	ssyncadd.s32 $0xFFFFC000  }
0xc3: {  	[tilespmem:s13], [sflag:$0x1] =	stream.indirect.gather [hbm4b:s1+s16], $0x80, s7, s16, $0xb8;
	[tilespmem:$0x1CC00] =	vst v63  }
0xc4: {  	_ =	swait.ge [sflag:s19], $0x4000  }
0xc5: {  	[sflag:s19] =	ssyncset.done $0x0  }
0xc6: {  	[sflag:s19] =	ssyncadd.s32 $0xFFFFC000  }
0xc7: {  	[spmem:s3] =	stream.indirect.scatter.add.f32 [tilespmem:s17], [sflag:$0x3], $0x80, s8, s16, $0xb8;
	[tilespmem:$0x1CC00] =	vst v63  }
0xc8: {  	_ =	swait.ge [sflag:s14], $0x4000  }
0xc9: {  	[sflag:s14] =	ssyncset.done $0x0  }
0xca: {  	[sflag:s14] =	ssyncadd.s32 $0xFFFFC000  }
0xcb: {  	[tilespmem:s17], [sflag:$0x2] =	stream.indirect.gather [hbm4b:s1+s16], $0x80, s9, s16, $0xb8;
	[tilespmem:$0x1CC00] =	vst v63  }
0xcc: {  	_ =	swait.ge [sflag:s18], $0x4000  }
0xcd: {  	[sflag:s18] =	ssyncset.done $0x0  }
0xce: {  	[sflag:s18] =	ssyncadd.s32 $0xFFFFC000  }
0xcf: {  	[spmem:s3] =	stream.indirect.scatter.add.f32 [tilespmem:s13], [sflag:$0x3], $0x80, s10, s16, $0xb8;
	[tilespmem:$0x1CC00] =	vst v63  }
0xd0: {  	_ =	swait.ge [sflag:s14], $0x4000  }
0xd1: {  	[sflag:s14] =	ssyncset.done $0x0  }
0xd2: {  	[sflag:s14] =	ssyncadd.s32 $0xFFFFC000  }
0xd3: {  	[tilespmem:s13], [sflag:$0x1] =	stream.indirect.gather [hbm4b:s1+s16], $0x80, s4, s16, $0xb8;
	[tilespmem:$0x1CC00] =	vst v63  }
0xd4: {  	_ =	swait.ge [sflag:s19], $0x4000  }
0xd5: {  	[sflag:s19] =	ssyncset.done $0x0  }
0xd6: {  	[sflag:s19] =	ssyncadd.s32 $0xFFFFC000  }
0xd7: {  	[spmem:s3] =	stream.indirect.scatter.add.f32 [tilespmem:s17], [sflag:$0x3], $0x80, s25, s16, $0xb8;
	[tilespmem:$0x1CC00] =	vst v63  }
0xd8: {  	_ =	swait.ge [sflag:s14], $0x4000  }
0xd9: {  	[sflag:s14] =	ssyncset.done $0x0  }
0xda: {  	[sflag:s14] =	ssyncadd.s32 $0xFFFFC000  }
0xdb: {  	s11 =	simm.s32 $0x100;
	_ =	swait.ge [sflag:s18], $0x4000  }
0xdc: {  	s12 =	simm.s32 $0x200;
	s6 =	rddreg [dreg:$0x5];
	[sflag:s18] =	ssyncset.done $0x0  }
.LBB2_7:
0xdd: {  	[sflag:s18] =	ssyncadd.s32 $0xFFFFC000;
	s6 =	sadd.s32 s11, s6  }
0xde: {  	[tilespmem:s4], [sflag:$0x3] =	stream.linear.gather [hbm4b:s6+s4], $0x800, $0x38;
	[tilespmem:$0x1CC00] =	vst v63  }
0xdf: {  	_ =	swait.ge [sflag:s14], $0x800  }
0xe0: {  	s6 =	rddreg [dreg:$0x6];
	[sflag:s14] =	ssyncset.done $0x0  }
0xe1: {  	[sflag:s14] =	ssyncadd.s32 $0xFFFFF800;
	s6 =	sadd.s32 s11, s6  }
0xe2: {  	[tilespmem:s15], [sflag:$0x3] =	stream.linear.gather [hbm4b:s6+s4], $0x800, $0x38;
	[tilespmem:$0x1CC00] =	vst v63  }
0xe3: {  	_ =	swait.ge [sflag:s14], $0x800  }
0xe4: {  	[sflag:s14] =	ssyncset.done $0x0  }
0xe5: {  	[sflag:s14] =	ssyncadd.s32 $0xFFFFF800  }
0xe6: {  	[tilespmem:s13], [sflag:$0x1] =	stream.indirect.gather [hbm4b:s1+s16], $0x80, s4, s16, $0xb8;
	[tilespmem:$0x1CC00] =	vst v63  }
0xe7: {  	_ = 	snop  }
0xe8: {  	[tilespmem:s17], [sflag:$0x2] =	stream.indirect.gather [hbm4b:s1+s16], $0x80, s16, s16, $0xb8;
	[tilespmem:$0x1CC00] =	vst v63  }
0xe9: {  	_ =	swait.ge [sflag:s18], $0x4000  }
0xea: {  	[sflag:s18] =	ssyncset.done $0x0  }
0xeb: {  	[sflag:s18] =	ssyncadd.s32 $0xFFFFC000  }
0xec: {  	[spmem:s3] =	stream.indirect.scatter.add.f32 [tilespmem:s13], [sflag:$0x3], $0x80, s15, s16, $0xb8;
	[tilespmem:$0x1CC00] =	vst v63  }
0xed: {  	_ =	swait.ge [sflag:s14], $0x4000  }
0xee: {  	[sflag:s14] =	ssyncset.done $0x0  }
0xef: {  	s6 =	rddreg [dreg:$0x7];
	[sflag:s14] =	ssyncadd.s32 $0xFFFFC000  }
0xf0: {  	[tilespmem:s13], [sflag:$0x1] =	stream.indirect.gather [hbm4b:s1+s16], $0x80, s6, s16, $0xb8;
	[tilespmem:$0x1CC00] =	vst v63  }
0xf1: {  	_ =	swait.ge [sflag:s19], $0x4000  }
0xf2: {  	[sflag:s19] =	ssyncset.done $0x0  }
0xf3: {  	s6 =	rddreg [dreg:$0x8];
	[sflag:s19] =	ssyncadd.s32 $0xFFFFC000  }
0xf4: {  	[spmem:s3] =	stream.indirect.scatter.add.f32 [tilespmem:s17], [sflag:$0x3], $0x80, s6, s16, $0xb8;
	[tilespmem:$0x1CC00] =	vst v63  }
0xf5: {  	_ =	swait.ge [sflag:s14], $0x4000  }
0xf6: {  	[sflag:s14] =	ssyncset.done $0x0  }
0xf7: {  	s6 =	rddreg [dreg:$0x9];
	[sflag:s14] =	ssyncadd.s32 $0xFFFFC000  }
0xf8: {  	[tilespmem:s17], [sflag:$0x2] =	stream.indirect.gather [hbm4b:s1+s16], $0x80, s6, s16, $0xb8;
	[tilespmem:$0x1CC00] =	vst v63  }
0xf9: {  	_ =	swait.ge [sflag:s18], $0x4000  }
0xfa: {  	[sflag:s18] =	ssyncset.done $0x0  }
0xfb: {  	s6 =	rddreg [dreg:$0xa];
	[sflag:s18] =	ssyncadd.s32 $0xFFFFC000  }
0xfc: {  	[spmem:s3] =	stream.indirect.scatter.add.f32 [tilespmem:s13], [sflag:$0x3], $0x80, s6, s16, $0xb8;
	[tilespmem:$0x1CC00] =	vst v63  }
0xfd: {  	_ =	swait.ge [sflag:s14], $0x4000  }
0xfe: {  	[sflag:s14] =	ssyncset.done $0x0  }
0xff: {  	s6 =	rddreg [dreg:$0xb];
	[sflag:s14] =	ssyncadd.s32 $0xFFFFC000  }
0x100: {  	[tilespmem:s13], [sflag:$0x1] =	stream.indirect.gather [hbm4b:s1+s16], $0x80, s6, s16, $0xb8;
	[tilespmem:$0x1CC00] =	vst v63  }
0x101: {  	_ =	swait.ge [sflag:s19], $0x4000  }
0x102: {  	[sflag:s19] =	ssyncset.done $0x0  }
0x103: {  	s6 =	rddreg [dreg:$0xc];
	[sflag:s19] =	ssyncadd.s32 $0xFFFFC000  }
0x104: {  	[spmem:s3] =	stream.indirect.scatter.add.f32 [tilespmem:s17], [sflag:$0x3], $0x80, s6, s16, $0xb8;
	[tilespmem:$0x1CC00] =	vst v63  }
0x105: {  	_ =	swait.ge [sflag:s14], $0x4000  }
0x106: {  	[sflag:s14] =	ssyncset.done $0x0  }
0x107: {  	s6 =	rddreg [dreg:$0xd];
	[sflag:s14] =	ssyncadd.s32 $0xFFFFC000  }
0x108: {  	[tilespmem:s17], [sflag:$0x2] =	stream.indirect.gather [hbm4b:s1+s16], $0x80, s6, s16, $0xb8;
	[tilespmem:$0x1CC00] =	vst v63  }
0x109: {  	_ =	swait.ge [sflag:s18], $0x4000  }
0x10a: {  	[sflag:s18] =	ssyncset.done $0x0  }
0x10b: {  	s6 =	rddreg [dreg:$0xe];
	[sflag:s18] =	ssyncadd.s32 $0xFFFFC000  }
0x10c: {  	[spmem:s3] =	stream.indirect.scatter.add.f32 [tilespmem:s13], [sflag:$0x3], $0x80, s6, s16, $0xb8;
	[tilespmem:$0x1CC00] =	vst v63  }
0x10d: {  	_ =	swait.ge [sflag:s14], $0x4000  }
0x10e: {  	[sflag:s14] =	ssyncset.done $0x0  }
0x10f: {  	s6 =	rddreg [dreg:$0xf];
	[sflag:s14] =	ssyncadd.s32 $0xFFFFC000  }
0x110: {  	[tilespmem:s13], [sflag:$0x1] =	stream.indirect.gather [hbm4b:s1+s16], $0x80, s6, s16, $0xb8;
	[tilespmem:$0x1CC00] =	vst v63  }
0x111: {  	_ =	swait.ge [sflag:s19], $0x4000  }
0x112: {  	[sflag:s19] =	ssyncset.done $0x0  }
0x113: {  	s6 =	rddreg [dreg:$0x10];
	[sflag:s19] =	ssyncadd.s32 $0xFFFFC000  }
0x114: {  	[spmem:s3] =	stream.indirect.scatter.add.f32 [tilespmem:s17], [sflag:$0x3], $0x80, s6, s16, $0xb8;
	[tilespmem:$0x1CC00] =	vst v63  }
0x115: {  	_ =	swait.ge [sflag:s14], $0x4000  }
0x116: {  	[sflag:s14] =	ssyncset.done $0x0  }
0x117: {  	s6 =	rddreg [dreg:$0x11];
	[sflag:s14] =	ssyncadd.s32 $0xFFFFC000  }
0x118: {  	[tilespmem:s17], [sflag:$0x2] =	stream.indirect.gather [hbm4b:s1+s16], $0x80, s6, s16, $0xb8;
	[tilespmem:$0x1CC00] =	vst v63  }
0x119: {  	_ =	swait.ge [sflag:s18], $0x4000  }
0x11a: {  	[sflag:s18] =	ssyncset.done $0x0  }
0x11b: {  	s6 =	rddreg [dreg:$0x12];
	[sflag:s18] =	ssyncadd.s32 $0xFFFFC000  }
0x11c: {  	[spmem:s3] =	stream.indirect.scatter.add.f32 [tilespmem:s13], [sflag:$0x3], $0x80, s6, s16, $0xb8;
	[tilespmem:$0x1CC00] =	vst v63  }
0x11d: {  	_ =	swait.ge [sflag:s14], $0x4000  }
0x11e: {  	[sflag:s14] =	ssyncset.done $0x0  }
0x11f: {  	[sflag:s14] =	ssyncadd.s32 $0xFFFFC000  }
0x120: {  	[tilespmem:s13], [sflag:$0x1] =	stream.indirect.gather [hbm4b:s1+s16], $0x80, s20, s16, $0xb8;
	[tilespmem:$0x1CC00] =	vst v63  }
0x121: {  	_ =	swait.ge [sflag:s19], $0x4000  }
0x122: {  	[sflag:s19] =	ssyncset.done $0x0  }
0x123: {  	[sflag:s19] =	ssyncadd.s32 $0xFFFFC000  }
0x124: {  	[spmem:s3] =	stream.indirect.scatter.add.f32 [tilespmem:s17], [sflag:$0x3], $0x80, s21, s16, $0xb8;
	[tilespmem:$0x1CC00] =	vst v63  }
0x125: {  	_ =	swait.ge [sflag:s14], $0x4000  }
0x126: {  	[sflag:s14] =	ssyncset.done $0x0  }
0x127: {  	[sflag:s14] =	ssyncadd.s32 $0xFFFFC000  }
0x128: {  	[tilespmem:s17], [sflag:$0x2] =	stream.indirect.gather [hbm4b:s1+s16], $0x80, s22, s16, $0xb8;
	[tilespmem:$0x1CC00] =	vst v63  }
0x129: {  	_ =	swait.ge [sflag:s18], $0x4000  }
0x12a: {  	[sflag:s18] =	ssyncset.done $0x0  }
0x12b: {  	[sflag:s18] =	ssyncadd.s32 $0xFFFFC000  }
0x12c: {  	[spmem:s3] =	stream.indirect.scatter.add.f32 [tilespmem:s13], [sflag:$0x3], $0x80, s23, s16, $0xb8;
	[tilespmem:$0x1CC00] =	vst v63  }
0x12d: {  	_ =	swait.ge [sflag:s14], $0x4000  }
0x12e: {  	[sflag:s14] =	ssyncset.done $0x0  }
0x12f: {  	[sflag:s14] =	ssyncadd.s32 $0xFFFFC000  }
0x130: {  	[tilespmem:s13], [sflag:$0x1] =	stream.indirect.gather [hbm4b:s1+s16], $0x80, s24, s16, $0xb8;
	[tilespmem:$0x1CC00] =	vst v63  }
0x131: {  	_ =	swait.ge [sflag:s19], $0x4000  }
0x132: {  	[sflag:s19] =	ssyncset.done $0x0  }
0x133: {  	[sflag:s19] =	ssyncadd.s32 $0xFFFFC000  }
0x134: {  	[spmem:s3] =	stream.indirect.scatter.add.f32 [tilespmem:s17], [sflag:$0x3], $0x80, s26, s16, $0xb8;
	[tilespmem:$0x1CC00] =	vst v63  }
0x135: {  	_ =	swait.ge [sflag:s14], $0x4000  }
0x136: {  	[sflag:s14] =	ssyncset.done $0x0  }
0x137: {  	[sflag:s14] =	ssyncadd.s32 $0xFFFFC000  }
0x138: {  	[tilespmem:s17], [sflag:$0x2] =	stream.indirect.gather [hbm4b:s1+s16], $0x80, s28, s16, $0xb8;
	[tilespmem:$0x1CC00] =	vst v63  }
0x139: {  	_ =	swait.ge [sflag:s18], $0x4000  }
0x13a: {  	[sflag:s18] =	ssyncset.done $0x0  }
0x13b: {  	[sflag:s18] =	ssyncadd.s32 $0xFFFFC000  }
0x13c: {  	[spmem:s3] =	stream.indirect.scatter.add.f32 [tilespmem:s13], [sflag:$0x3], $0x80, s29, s16, $0xb8;
	[tilespmem:$0x1CC00] =	vst v63  }
0x13d: {  	_ =	swait.ge [sflag:s14], $0x4000  }
0x13e: {  	[sflag:s14] =	ssyncset.done $0x0  }
0x13f: {  	[sflag:s14] =	ssyncadd.s32 $0xFFFFC000  }
0x140: {  	[tilespmem:s13], [sflag:$0x1] =	stream.indirect.gather [hbm4b:s1+s16], $0x80, s30, s16, $0xb8;
	[tilespmem:$0x1CC00] =	vst v63  }
0x141: {  	_ =	swait.ge [sflag:s19], $0x4000  }
0x142: {  	[sflag:s19] =	ssyncset.done $0x0  }
0x143: {  	[sflag:s19] =	ssyncadd.s32 $0xFFFFC000  }
0x144: {  	[spmem:s3] =	stream.indirect.scatter.add.f32 [tilespmem:s17], [sflag:$0x3], $0x80, s31, s16, $0xb8;
	[tilespmem:$0x1CC00] =	vst v63  }
0x145: {  	_ =	swait.ge [sflag:s14], $0x4000  }
0x146: {  	[sflag:s14] =	ssyncset.done $0x0  }
0x147: {  	[sflag:s14] =	ssyncadd.s32 $0xFFFFC000  }
0x148: {  	[tilespmem:s17], [sflag:$0x2] =	stream.indirect.gather [hbm4b:s1+s16], $0x80, s2, s16, $0xb8;
	[tilespmem:$0x1CC00] =	vst v63  }
0x149: {  	_ =	swait.ge [sflag:s18], $0x4000  }
0x14a: {  	[sflag:s18] =	ssyncset.done $0x0  }
0x14b: {  	[sflag:s18] =	ssyncadd.s32 $0xFFFFC000  }
0x14c: {  	[spmem:s3] =	stream.indirect.scatter.add.f32 [tilespmem:s13], [sflag:$0x3], $0x80, s5, s16, $0xb8;
	[tilespmem:$0x1CC00] =	vst v63  }
0x14d: {  	_ =	swait.ge [sflag:s14], $0x4000  }
0x14e: {  	[sflag:s14] =	ssyncset.done $0x0  }
0x14f: {  	[sflag:s14] =	ssyncadd.s32 $0xFFFFC000  }
0x150: {  	[tilespmem:s13], [sflag:$0x1] =	stream.indirect.gather [hbm4b:s1+s16], $0x80, s7, s16, $0xb8;
	[tilespmem:$0x1CC00] =	vst v63  }
0x151: {  	_ =	swait.ge [sflag:s19], $0x4000  }
0x152: {  	[sflag:s19] =	ssyncset.done $0x0  }
0x153: {  	[sflag:s19] =	ssyncadd.s32 $0xFFFFC000  }
0x154: {  	[spmem:s3] =	stream.indirect.scatter.add.f32 [tilespmem:s17], [sflag:$0x3], $0x80, s8, s16, $0xb8;
	[tilespmem:$0x1CC00] =	vst v63  }
0x155: {  	_ =	swait.ge [sflag:s14], $0x4000  }
0x156: {  	[sflag:s14] =	ssyncset.done $0x0  }
0x157: {  	[sflag:s14] =	ssyncadd.s32 $0xFFFFC000  }
0x158: {  	[tilespmem:s17], [sflag:$0x2] =	stream.indirect.gather [hbm4b:s1+s16], $0x80, s9, s16, $0xb8;
	[tilespmem:$0x1CC00] =	vst v63  }
0x159: {  	_ =	swait.ge [sflag:s18], $0x4000  }
0x15a: {  	[sflag:s18] =	ssyncset.done $0x0  }
0x15b: {  	[sflag:s18] =	ssyncadd.s32 $0xFFFFC000  }
0x15c: {  	[spmem:s3] =	stream.indirect.scatter.add.f32 [tilespmem:s13], [sflag:$0x3], $0x80, s10, s16, $0xb8;
	[tilespmem:$0x1CC00] =	vst v63  }
0x15d: {  	_ =	swait.ge [sflag:s14], $0x4000  }
0x15e: {  	[sflag:s14] =	ssyncset.done $0x0  }
0x15f: {  	[sflag:s14] =	ssyncadd.s32 $0xFFFFC000  }
0x160: {  	[tilespmem:s13], [sflag:$0x1] =	stream.indirect.gather [hbm4b:s1+s16], $0x80, s4, s16, $0xb8;
	[tilespmem:$0x1CC00] =	vst v63  }
0x161: {  	_ =	swait.ge [sflag:s19], $0x4000  }
0x162: {  	[sflag:s19] =	ssyncset.done $0x0  }
0x163: {  	p1 =	sne.s32 s12, $0x400;
	[sflag:s19] =	ssyncadd.s32 $0xFFFFC000  }
0x164: {  	[spmem:s3] =	stream.indirect.scatter.add.f32 [tilespmem:s17], [sflag:$0x3], $0x80, s25, s16, $0xb8;
	[tilespmem:$0x1CC00] =	vst v63  }
.Ltmp3:
0x165: {  	_ =	swait.ge [sflag:s14], $0x4000;
	(pc) =	sbr.rel @p1 .LBB2_7-.Ltmp3, $4  }
0x166: {  	[sflag:s14] =	ssyncset.done $0x0  }
0x167: {  	[sflag:s14] =	ssyncadd.s32 $0xFFFFC000  }
0x168: {  	s0 =	smov.u32 s12;
	s12 =	sadd.s32 $0x100, s12;
	_ =	swait.ge [sflag:s18], $0x4000  }
0x169: {  	s11 =	smov.u32 s0;
	s6 =	rddreg [dreg:$0x5];
	[sflag:s18] =	ssyncset.done $0x0  }
0x16a: {  	[sflag:s18] =	ssyncadd.s32 $0xFFFFC000;
	s0 =	sadd.s32 s11, s6  }
0x16b: {  	[tilespmem:s4], [sflag:$0x3] =	stream.linear.gather [hbm4b:s0+s4], $0x800, $0x38;
	[tilespmem:$0x1CC00] =	vst v63  }
0x16c: {  	_ =	swait.ge [sflag:s14], $0x800  }
0x16d: {  	s12 =	rddreg [dreg:$0x6];
	[sflag:s14] =	ssyncset.done $0x0  }
0x16e: {  	[sflag:s14] =	ssyncadd.s32 $0xFFFFF800;
	s0 =	sadd.s32 s11, s12  }
0x16f: {  	[tilespmem:s15], [sflag:$0x3] =	stream.linear.gather [hbm4b:s0+s4], $0x800, $0x38;
	[tilespmem:$0x1CC00] =	vst v63  }
0x170: {  	_ =	swait.ge [sflag:s14], $0x800  }
0x171: {  	[sflag:s14] =	ssyncset.done $0x0  }
0x172: {  	[sflag:s14] =	ssyncadd.s32 $0xFFFFF800  }
0x173: {  	[tilespmem:s13], [sflag:$0x1] =	stream.indirect.gather [hbm4b:s1+s16], $0x80, s4, s16, $0xb8;
	[tilespmem:$0x1CC00] =	vst v63  }
0x174: {  	_ = 	snop  }
0x175: {  	[tilespmem:s17], [sflag:$0x2] =	stream.indirect.gather [hbm4b:s1+s16], $0x80, s16, s16, $0xb8;
	[tilespmem:$0x1CC00] =	vst v63  }
0x176: {  	_ =	swait.ge [sflag:s18], $0x4000  }
0x177: {  	[sflag:s18] =	ssyncset.done $0x0  }
0x178: {  	[sflag:s18] =	ssyncadd.s32 $0xFFFFC000  }
0x179: {  	[spmem:s3] =	stream.indirect.scatter.add.f32 [tilespmem:s13], [sflag:$0x3], $0x80, s15, s16, $0xb8;
	[tilespmem:$0x1CC00] =	vst v63  }
0x17a: {  	_ =	swait.ge [sflag:s14], $0x4000  }
0x17b: {  	[sflag:s14] =	ssyncset.done $0x0  }
0x17c: {  	s6 =	rddreg [dreg:$0x7];
	[sflag:s14] =	ssyncadd.s32 $0xFFFFC000  }
0x17d: {  	[tilespmem:s13], [sflag:$0x1] =	stream.indirect.gather [hbm4b:s1+s16], $0x80, s6, s16, $0xb8;
	[tilespmem:$0x1CC00] =	vst v63  }
0x17e: {  	_ =	swait.ge [sflag:s19], $0x4000  }
0x17f: {  	[sflag:s19] =	ssyncset.done $0x0  }
0x180: {  	s11 =	rddreg [dreg:$0x8];
	[sflag:s19] =	ssyncadd.s32 $0xFFFFC000  }
0x181: {  	[spmem:s3] =	stream.indirect.scatter.add.f32 [tilespmem:s17], [sflag:$0x3], $0x80, s11, s16, $0xb8;
	[tilespmem:$0x1CC00] =	vst v63  }
0x182: {  	_ =	swait.ge [sflag:s14], $0x4000  }
0x183: {  	[sflag:s14] =	ssyncset.done $0x0  }
0x184: {  	s12 =	rddreg [dreg:$0x9];
	[sflag:s14] =	ssyncadd.s32 $0xFFFFC000  }
0x185: {  	[tilespmem:s17], [sflag:$0x2] =	stream.indirect.gather [hbm4b:s1+s16], $0x80, s12, s16, $0xb8;
	[tilespmem:$0x1CC00] =	vst v63  }
0x186: {  	_ =	swait.ge [sflag:s18], $0x4000  }
0x187: {  	[sflag:s18] =	ssyncset.done $0x0  }
0x188: {  	s6 =	rddreg [dreg:$0xa];
	[sflag:s18] =	ssyncadd.s32 $0xFFFFC000  }
0x189: {  	[spmem:s3] =	stream.indirect.scatter.add.f32 [tilespmem:s13], [sflag:$0x3], $0x80, s6, s16, $0xb8;
	[tilespmem:$0x1CC00] =	vst v63  }
0x18a: {  	_ =	swait.ge [sflag:s14], $0x4000  }
0x18b: {  	[sflag:s14] =	ssyncset.done $0x0  }
0x18c: {  	s11 =	rddreg [dreg:$0xb];
	[sflag:s14] =	ssyncadd.s32 $0xFFFFC000  }
0x18d: {  	[tilespmem:s13], [sflag:$0x1] =	stream.indirect.gather [hbm4b:s1+s16], $0x80, s11, s16, $0xb8;
	[tilespmem:$0x1CC00] =	vst v63  }
0x18e: {  	_ =	swait.ge [sflag:s19], $0x4000  }
0x18f: {  	[sflag:s19] =	ssyncset.done $0x0  }
0x190: {  	s12 =	rddreg [dreg:$0xc];
	[sflag:s19] =	ssyncadd.s32 $0xFFFFC000  }
0x191: {  	[spmem:s3] =	stream.indirect.scatter.add.f32 [tilespmem:s17], [sflag:$0x3], $0x80, s12, s16, $0xb8;
	[tilespmem:$0x1CC00] =	vst v63  }
0x192: {  	_ =	swait.ge [sflag:s14], $0x4000  }
0x193: {  	[sflag:s14] =	ssyncset.done $0x0  }
0x194: {  	s6 =	rddreg [dreg:$0xd];
	[sflag:s14] =	ssyncadd.s32 $0xFFFFC000  }
0x195: {  	[tilespmem:s17], [sflag:$0x2] =	stream.indirect.gather [hbm4b:s1+s16], $0x80, s6, s16, $0xb8;
	[tilespmem:$0x1CC00] =	vst v63  }
0x196: {  	_ =	swait.ge [sflag:s18], $0x4000  }
0x197: {  	[sflag:s18] =	ssyncset.done $0x0  }
0x198: {  	s11 =	rddreg [dreg:$0xe];
	[sflag:s18] =	ssyncadd.s32 $0xFFFFC000  }
0x199: {  	[spmem:s3] =	stream.indirect.scatter.add.f32 [tilespmem:s13], [sflag:$0x3], $0x80, s11, s16, $0xb8;
	[tilespmem:$0x1CC00] =	vst v63  }
0x19a: {  	_ =	swait.ge [sflag:s14], $0x4000  }
0x19b: {  	[sflag:s14] =	ssyncset.done $0x0  }
0x19c: {  	s12 =	rddreg [dreg:$0xf];
	[sflag:s14] =	ssyncadd.s32 $0xFFFFC000  }
0x19d: {  	[tilespmem:s13], [sflag:$0x1] =	stream.indirect.gather [hbm4b:s1+s16], $0x80, s12, s16, $0xb8;
	[tilespmem:$0x1CC00] =	vst v63  }
0x19e: {  	_ =	swait.ge [sflag:s19], $0x4000  }
0x19f: {  	[sflag:s19] =	ssyncset.done $0x0  }
0x1a0: {  	s6 =	rddreg [dreg:$0x10];
	[sflag:s19] =	ssyncadd.s32 $0xFFFFC000  }
0x1a1: {  	[spmem:s3] =	stream.indirect.scatter.add.f32 [tilespmem:s17], [sflag:$0x3], $0x80, s6, s16, $0xb8;
	[tilespmem:$0x1CC00] =	vst v63  }
0x1a2: {  	_ =	swait.ge [sflag:s14], $0x4000  }
0x1a3: {  	[sflag:s14] =	ssyncset.done $0x0  }
0x1a4: {  	s11 =	rddreg [dreg:$0x11];
	[sflag:s14] =	ssyncadd.s32 $0xFFFFC000  }
0x1a5: {  	[tilespmem:s17], [sflag:$0x2] =	stream.indirect.gather [hbm4b:s1+s16], $0x80, s11, s16, $0xb8;
	[tilespmem:$0x1CC00] =	vst v63  }
0x1a6: {  	_ =	swait.ge [sflag:s18], $0x4000  }
0x1a7: {  	[sflag:s18] =	ssyncset.done $0x0  }
0x1a8: {  	s12 =	rddreg [dreg:$0x12];
	[sflag:s18] =	ssyncadd.s32 $0xFFFFC000  }
0x1a9: {  	[spmem:s3] =	stream.indirect.scatter.add.f32 [tilespmem:s13], [sflag:$0x3], $0x80, s12, s16, $0xb8;
	[tilespmem:$0x1CC00] =	vst v63  }
0x1aa: {  	_ =	swait.ge [sflag:s14], $0x4000  }
0x1ab: {  	[sflag:s14] =	ssyncset.done $0x0  }
0x1ac: {  	[sflag:s14] =	ssyncadd.s32 $0xFFFFC000  }
0x1ad: {  	[tilespmem:s13], [sflag:$0x1] =	stream.indirect.gather [hbm4b:s1+s16], $0x80, s20, s16, $0xb8;
	[tilespmem:$0x1CC00] =	vst v63  }
0x1ae: {  	_ =	swait.ge [sflag:s19], $0x4000  }
0x1af: {  	[sflag:s19] =	ssyncset.done $0x0  }
0x1b0: {  	[sflag:s19] =	ssyncadd.s32 $0xFFFFC000  }
0x1b1: {  	[spmem:s3] =	stream.indirect.scatter.add.f32 [tilespmem:s17], [sflag:$0x3], $0x80, s21, s16, $0xb8;
	[tilespmem:$0x1CC00] =	vst v63  }
0x1b2: {  	_ =	swait.ge [sflag:s14], $0x4000  }
0x1b3: {  	[sflag:s14] =	ssyncset.done $0x0  }
0x1b4: {  	[sflag:s14] =	ssyncadd.s32 $0xFFFFC000  }
0x1b5: {  	[tilespmem:s17], [sflag:$0x2] =	stream.indirect.gather [hbm4b:s1+s16], $0x80, s22, s16, $0xb8;
	[tilespmem:$0x1CC00] =	vst v63  }
0x1b6: {  	_ =	swait.ge [sflag:s18], $0x4000  }
0x1b7: {  	[sflag:s18] =	ssyncset.done $0x0  }
0x1b8: {  	[sflag:s18] =	ssyncadd.s32 $0xFFFFC000  }
0x1b9: {  	[spmem:s3] =	stream.indirect.scatter.add.f32 [tilespmem:s13], [sflag:$0x3], $0x80, s23, s16, $0xb8;
	[tilespmem:$0x1CC00] =	vst v63  }
0x1ba: {  	_ =	swait.ge [sflag:s14], $0x4000  }
0x1bb: {  	[sflag:s14] =	ssyncset.done $0x0  }
0x1bc: {  	[sflag:s14] =	ssyncadd.s32 $0xFFFFC000  }
0x1bd: {  	[tilespmem:s13], [sflag:$0x1] =	stream.indirect.gather [hbm4b:s1+s16], $0x80, s24, s16, $0xb8;
	[tilespmem:$0x1CC00] =	vst v63  }
0x1be: {  	_ =	swait.ge [sflag:s19], $0x4000  }
0x1bf: {  	[sflag:s19] =	ssyncset.done $0x0  }
0x1c0: {  	[sflag:s19] =	ssyncadd.s32 $0xFFFFC000  }
0x1c1: {  	[spmem:s3] =	stream.indirect.scatter.add.f32 [tilespmem:s17], [sflag:$0x3], $0x80, s26, s16, $0xb8;
	[tilespmem:$0x1CC00] =	vst v63  }
0x1c2: {  	_ =	swait.ge [sflag:s14], $0x4000  }
0x1c3: {  	[sflag:s14] =	ssyncset.done $0x0  }
0x1c4: {  	[sflag:s14] =	ssyncadd.s32 $0xFFFFC000  }
0x1c5: {  	[tilespmem:s17], [sflag:$0x2] =	stream.indirect.gather [hbm4b:s1+s16], $0x80, s28, s16, $0xb8;
	[tilespmem:$0x1CC00] =	vst v63  }
0x1c6: {  	_ =	swait.ge [sflag:s18], $0x4000  }
0x1c7: {  	[sflag:s18] =	ssyncset.done $0x0  }
0x1c8: {  	[sflag:s18] =	ssyncadd.s32 $0xFFFFC000  }
0x1c9: {  	[spmem:s3] =	stream.indirect.scatter.add.f32 [tilespmem:s13], [sflag:$0x3], $0x80, s29, s16, $0xb8;
	[tilespmem:$0x1CC00] =	vst v63  }
0x1ca: {  	_ =	swait.ge [sflag:s14], $0x4000  }
0x1cb: {  	[sflag:s14] =	ssyncset.done $0x0  }
0x1cc: {  	[sflag:s14] =	ssyncadd.s32 $0xFFFFC000  }
0x1cd: {  	[tilespmem:s13], [sflag:$0x1] =	stream.indirect.gather [hbm4b:s1+s16], $0x80, s30, s16, $0xb8;
	[tilespmem:$0x1CC00] =	vst v63  }
0x1ce: {  	_ =	swait.ge [sflag:s19], $0x4000  }
0x1cf: {  	[sflag:s19] =	ssyncset.done $0x0  }
0x1d0: {  	[sflag:s19] =	ssyncadd.s32 $0xFFFFC000  }
0x1d1: {  	[spmem:s3] =	stream.indirect.scatter.add.f32 [tilespmem:s17], [sflag:$0x3], $0x80, s31, s16, $0xb8;
	[tilespmem:$0x1CC00] =	vst v63  }
0x1d2: {  	_ =	swait.ge [sflag:s14], $0x4000  }
0x1d3: {  	[sflag:s14] =	ssyncset.done $0x0  }
0x1d4: {  	[sflag:s14] =	ssyncadd.s32 $0xFFFFC000  }
0x1d5: {  	[tilespmem:s17], [sflag:$0x2] =	stream.indirect.gather [hbm4b:s1+s16], $0x80, s2, s16, $0xb8;
	[tilespmem:$0x1CC00] =	vst v63  }
0x1d6: {  	_ =	swait.ge [sflag:s18], $0x4000  }
0x1d7: {  	[sflag:s18] =	ssyncset.done $0x0  }
0x1d8: {  	[sflag:s18] =	ssyncadd.s32 $0xFFFFC000  }
0x1d9: {  	[spmem:s3] =	stream.indirect.scatter.add.f32 [tilespmem:s13], [sflag:$0x3], $0x80, s5, s16, $0xb8;
	[tilespmem:$0x1CC00] =	vst v63  }
0x1da: {  	_ =	swait.ge [sflag:s14], $0x4000  }
0x1db: {  	[sflag:s14] =	ssyncset.done $0x0  }
0x1dc: {  	[sflag:s14] =	ssyncadd.s32 $0xFFFFC000  }
0x1dd: {  	[tilespmem:s13], [sflag:$0x1] =	stream.indirect.gather [hbm4b:s1+s16], $0x80, s7, s16, $0xb8;
	[tilespmem:$0x1CC00] =	vst v63  }
0x1de: {  	_ =	swait.ge [sflag:s19], $0x4000  }
0x1df: {  	[sflag:s19] =	ssyncset.done $0x0  }
0x1e0: {  	[sflag:s19] =	ssyncadd.s32 $0xFFFFC000  }
0x1e1: {  	[spmem:s3] =	stream.indirect.scatter.add.f32 [tilespmem:s17], [sflag:$0x3], $0x80, s8, s16, $0xb8;
	[tilespmem:$0x1CC00] =	vst v63  }
0x1e2: {  	_ =	swait.ge [sflag:s14], $0x4000  }
0x1e3: {  	[sflag:s14] =	ssyncset.done $0x0  }
0x1e4: {  	[sflag:s14] =	ssyncadd.s32 $0xFFFFC000  }
0x1e5: {  	[tilespmem:s17], [sflag:$0x2] =	stream.indirect.gather [hbm4b:s1+s16], $0x80, s9, s16, $0xb8;
	[tilespmem:$0x1CC00] =	vst v63  }
0x1e6: {  	_ =	swait.ge [sflag:s18], $0x4000  }
0x1e7: {  	[sflag:s18] =	ssyncset.done $0x0  }
0x1e8: {  	[sflag:s18] =	ssyncadd.s32 $0xFFFFC000  }
0x1e9: {  	[spmem:s3] =	stream.indirect.scatter.add.f32 [tilespmem:s13], [sflag:$0x3], $0x80, s10, s16, $0xb8;
	[tilespmem:$0x1CC00] =	vst v63  }
0x1ea: {  	_ =	swait.ge [sflag:s14], $0x4000  }
0x1eb: {  	[sflag:s14] =	ssyncset.done $0x0  }
0x1ec: {  	[sflag:s14] =	ssyncadd.s32 $0xFFFFC000  }
0x1ed: {  	[tilespmem:s13], [sflag:$0x1] =	stream.indirect.gather [hbm4b:s1+s16], $0x80, s4, s16, $0xb8;
	[tilespmem:$0x1CC00] =	vst v63  }
0x1ee: {  	_ =	swait.ge [sflag:s19], $0x4000  }
0x1ef: {  	[sflag:s19] =	ssyncset.done $0x0  }
0x1f0: {  	[sflag:s19] =	ssyncadd.s32 $0xFFFFC000  }
0x1f1: {  	[spmem:s3] =	stream.indirect.scatter.add.f32 [tilespmem:s17], [sflag:$0x3], $0x80, s25, s16, $0xb8;
	[tilespmem:$0x1CC00] =	vst v63  }
0x1f2: {  	_ =	swait.ge [sflag:s14], $0x4000  }
0x1f3: {  	[sflag:s14] =	ssyncset.done $0x0  }
0x1f4: {  	[sflag:s14] =	ssyncadd.s32 $0xFFFFC000  }
0x1f5: {  	_ =	swait.ge [sflag:s18], $0x4000  }
0x1f6: {  	[sflag:s18] =	ssyncset.done $0x0  }
0x1f7: {  	[sflag:s18] =	ssyncadd.s32 $0xFFFFC000  }
0x1f8: {  	s6 =	stileid.u32;
	[bflag:$0x0] =	sbarrier.arrive $0xFFFF  }
0x1f9: {  	s0 =	sshll.u32 s6, $0x6;
	s11 =	rddreg [dreg:$0x14]  }
0x1fa: {  	s0 =	sor.u32 $0x1C03, s0;
	s12 =	rddreg [dreg:$0x19];
	s6 =	sshrl.u32 s11, $0x3  }
0x1fb: {  	[hbm:s12], [sflag:s0] =	dma.local [spmem:s6], $0x2780  }
0x1fc: {  	_ =	swait.ge [sflag:s14], $0x2780  }
0x1fd: {  	s11 =	rddreg [dreg:$0x1c]  }
0x1fe: {  	s12 =	rddreg [dreg:$0x1a];
	s6 =	sadd.s32 $0x1, s11  }
0x1ff: {  	p1 =	sne.s32 s6, s12  }
.Ltmp4:
0x200: {  	_ = 	snop;
	(pc) =	sbr.rel @p1 .LBB2_1-.Ltmp4, $3  }
0x201: {  	_ =	sdelay $0x1  }
0x202: {  	[sflag:s14] =	ssyncset.done $0x0  }
0x203: {  	[sflag:s14] =	ssyncadd.s32 $0xFFFFD880  }
0x204: {  	_ =	sfence.sel $0x180000  }
0x205: {  	[bflag:$0x0] =	sbarrier.arrive $0xFFFF  }
0x206: {  	_ =	strace $0x90000047  }
0x207: {  	s0 =	stileid.u32;
	[bflag:$0x2] =	sbarrier.arrive $0xFFFF  }
0x208: {  	p0 =	sne.s32 s0, $0x0;
	s0 =	rddreg [dreg:$0x4]  }
0x209: {  	s0 =	sadd.s32 @!p0 $0x100000, s0  }
0x20a: {  	[sflag:s0] =	ssyncadd.tile.s32 @!p0 $0x1;
	_ =	shalt  }
.Lfunc_end2:
_tile_overlayer_lowered:
.L_overlay_start_2:
0x20b: {  	(tag) =	ssettag $0x2  }
0x20c: {  	s0 =	rddreg [dreg:$0x0];
	s2 =	stileid.u32  }
0x20d: {  	s1 =	rddreg [dreg:$0x1];
	p0 =	sne.s32 s2, $0x0  }
0x20e: {  	s3 =	rddreg [dreg:$0x2];
	[bflag:$0x3] =	sbarrier.arrive $0xFFFF;
	s2 =	simm.s32 @!p0 $0x1C03  }
0x20f: {  	[timem:s3], [sflag:s2] =	dma.local @!p0 [hbm:s0], s1  }
0x210: {  	s0 =	simm.s32 @!p0 $0x3  }
0x211: {  	_ =	swait.ge @!p0 [sflag:s0], s1  }
0x212: {  	s1 =	ssub.s32 @!p0 $0x0, s1;
	[sflag:s0] =	ssyncset.done @!p0 $0x0  }
0x213: {  	[sflag:s0] =	ssyncadd.s32 @!p0 s1  }
0x214: {  	[bflag:$0x3] =	sbarrier.arrive $0xFFFF  }
0x215: {  	_ =	shalt  }

</sc_bundles>
